<compile_context>
chip_gen: v7x
topology: tpu7x:2x2x1
jax: 0.10.2.dev20260603
libtpu: 0.0.44.dev20260713+nightly
codegen_flags: <defaults>
</compile_context>

<pallas_src>
import functools

import jax
import jax.numpy as jnp
from jax import lax
from jax.experimental import pallas as pl
from jax.experimental.pallas import tpu as pltpu
from jax.experimental.pallas import tpu_sc as plsc

BATCH = 16384
SEQ = 200
NBASIS = 8
RES = 256
SEQ_R = SEQ - 128
NHALF = 2
HB = BATCH // NHALF

_MASK_LO = 0xFFFF
_MASK_HI = -65536

TB = 2048


def _bf16_bits(x):
    b16 = lax.bitcast_convert_type(x.astype(jnp.bfloat16), jnp.uint16)
    return b16.astype(jnp.int32)


def _pre_body(amp_ref, basis_ref, pos_ref, idx_ref, tab_ref):
    p = pos_ref[...]
    idx = jnp.clip(((p + 1.0) * 127.5).astype(jnp.int32), 0, RES - 1)
    idx_r = jnp.concatenate(
        [idx[128:, :], jnp.zeros((128 - SEQ_R, TB), jnp.int32)], axis=0
    )
    idx_ref[...] = (idx[:128, :] | (idx_r << 8)).T
    amp = amp_ref[...]
    basis = basis_ref[...]
    cdims = (((0,), (0,)), ((), ()))
    tabl = lax.dot_general(
        amp, basis[:, :128], cdims, preferred_element_type=jnp.float32
    )
    tabr = lax.dot_general(
        amp, basis[:, 128:], cdims, preferred_element_type=jnp.float32
    )
    tab_ref[...] = _bf16_bits(tabl) | (_bf16_bits(tabr) << 16)


def _pre_call(amp_t, hermite_basis, pos_t, half):
    n128 = jax.ShapeDtypeStruct((HB, 128), jnp.int32)
    off = half * (HB // TB)
    blk = lambda i: (i, 0)
    return pl.pallas_call(
        _pre_body,
        grid=(HB // TB,),
        in_specs=[
            pl.BlockSpec((NBASIS, TB), lambda i: (0, i + off)),
            pl.BlockSpec((NBASIS, RES), lambda i: (0, 0)),
            pl.BlockSpec((SEQ, TB), lambda i: (0, i + off)),
        ],
        out_specs=[pl.BlockSpec((TB, 128), blk), pl.BlockSpec((TB, 128), blk)],
        out_shape=[n128, n128],
    )(amp_t, hermite_basis, pos_t)


def _post0_body(outw_ref, out_ref):
    w = outw_ref[...]
    val_l = lax.bitcast_convert_type(w << 16, jnp.float32)
    val_r = lax.bitcast_convert_type(w & _MASK_HI, jnp.float32)
    out_ref[:128, :] = val_l.T
    out_ref[128:, :] = val_r.T[:SEQ_R, :]


def _post1_body(acc_ref, outw_ref, out_ref):
    del acc_ref
    _post0_body(outw_ref, out_ref)


def _post_call(out0, out1):
    nblk = HB // TB
    acc = pl.pallas_call(
        _post0_body,
        grid=(nblk,),
        in_specs=[pl.BlockSpec((TB, 128), lambda i: (i, 0))],
        out_specs=pl.BlockSpec((SEQ, TB), lambda i: (0, i)),
        out_shape=jax.ShapeDtypeStruct((SEQ, BATCH), jnp.float32),
    )(out0)
    return pl.pallas_call(
        _post1_body,
        grid=(nblk,),
        in_specs=[
            pl.BlockSpec(memory_space=pl.ANY),
            pl.BlockSpec((TB, 128), lambda i: (i, 0)),
        ],
        out_specs=pl.BlockSpec((SEQ, TB), lambda i: (0, i + nblk)),
        out_shape=jax.ShapeDtypeStruct((SEQ, BATCH), jnp.float32),
        input_output_aliases={0: 0},
    )(acc, out1)


_INFO = plsc.get_sparse_core_info()
NC = _INFO.num_cores
NS = _INFO.num_subcores
NW = NC * NS
ROWS_PER_W = HB // NW
CHUNK = 128
N_CHUNKS = ROWS_PER_W // CHUNK
_WINDOWS = CHUNK * 8


def _gather_body(
    idx_hbm,
    tab_hbm,
    out_hbm,
    idx_v,
    tab_v,
    res_v,
    ld0,
    ld1,
    st0,
    st1,
):
    wid = lax.axis_index("s") * NC + lax.axis_index("c")
    base = wid * ROWS_PER_W
    ld = (ld0, ld1)
    st = (st0, st1)

    def load_descs(ci, b):
        sl = pl.ds(base + ci * CHUNK, CHUNK)
        return (
            pltpu.make_async_copy(idx_hbm.at[sl], idx_v.at[b], ld[b]),
            pltpu.make_async_copy(tab_hbm.at[sl], tab_v.at[b], ld[b]),
        )

    def store_desc(ci, b):
        sl = pl.ds(base + ci * CHUNK, CHUNK)
        return pltpu.make_async_copy(res_v.at[b], out_hbm.at[sl], st[b])

    for d in load_descs(0, 0):
        d.start()
    for ci in range(N_CHUNKS):
        b = ci % 2
        if ci + 1 < N_CHUNKS:
            for d in load_descs(ci + 1, 1 - b):
                d.start()
        for d in load_descs(ci, b):
            d.wait()
        if ci >= 2:
            store_desc(ci - 2, b).wait()

        @plsc.parallel_loop(0, _WINDOWS, 1, unroll=8)
        def win_body(w):
            row = w >> 3
            col = (w & 7) * 16
            iv = idx_v[b, row, pl.ds(col, 16)]
            iv_l = iv & 255
            iv_r = (iv >> 8) & 255
            w_l = plsc.load_gather(tab_v.at[b], [jnp.full((16,), row, jnp.int32), iv_l & 127])
            w_r = plsc.load_gather(tab_v.at[b], [jnp.full((16,), row, jnp.int32), iv_r & 127])
            bits_l = jnp.where(iv_l > 127, (w_l >> 16) & _MASK_LO, w_l & _MASK_LO)
            bits_r = jnp.where(iv_r > 127, w_r & _MASK_HI, w_r << 16)
            res_v[b, row, pl.ds(col, 16)] = bits_l | bits_r

        store_desc(ci, b).start()
    for ci in (N_CHUNKS - 2, N_CHUNKS - 1):
        store_desc(ci, ci % 2).wait()


_gather_call = functools.partial(
    pl.kernel,
    out_type=jax.ShapeDtypeStruct((HB, 128), jnp.int32),
    mesh=plsc.VectorSubcoreMesh(core_axis_name="c", subcore_axis_name="s"),
    compiler_params=pltpu.CompilerParams(
        use_tc_tiling_on_sc=False, needs_layout_passes=False
    ),
    scratch_types=[
        pltpu.VMEM((2, CHUNK, 128), jnp.int32),
        pltpu.VMEM((2, CHUNK, 128), jnp.int32),
        pltpu.VMEM((2, CHUNK, 128), jnp.int32),
        pltpu.SemaphoreType.DMA,
        pltpu.SemaphoreType.DMA,
        pltpu.SemaphoreType.DMA,
        pltpu.SemaphoreType.DMA,
    ],
)(_gather_body)


def kernel(positions, amplitudes, hermite_basis):
    pos_t = positions.T
    amp_t = amplitudes.T
    idx0, tab0 = _pre_call(amp_t, hermite_basis, pos_t, 0)
    out0 = _gather_call(idx0, tab0)
    idx1, tab1 = _pre_call(amp_t, hermite_basis, pos_t, 1)
    out1 = _gather_call(idx1, tab1)
    return _post_call(out0, out1).T

# --- scband reference (transcript-rebuilt; emitter-appended) ---
"""Pipeline reference for scband-harmonic-confinement-50792283243136 (READ-ONLY COPY).

The authoritative reference and input builder live on the scoring server;
editing this copy changes nothing except your own understanding.
"""

import jax, jax.numpy as jnp
import numpy as np
import math

MAX_N = 8
SIGMA = 1.0
RESOLUTION = 256
BATCH = 16384
SEQ = 200

def _compute_hermite_basis(max_n, resolution, sigma):
    x = np.linspace(-3.0, 3.0, resolution)
    xi = x / (sigma * np.sqrt(2.0))
    H = np.zeros((max_n, resolution), dtype=np.float64)
    H[0] = 1.0
    if max_n > 1:
        H[1] = 2.0 * xi
    for n in range(2, max_n):
        H[n] = 2.0 * xi * H[n - 1] - 2.0 * (n - 1) * H[n - 2]
    basis = []
    for n in range(max_n):
        norm = (2.0 ** n * math.factorial(n) * np.sqrt(np.pi)) ** (-0.5)
        psi = norm * H[n] * np.exp(-xi ** 2 / 2.0)
        basis.append(psi.astype(np.float32))
    return jnp.asarray(np.stack(basis))


def setup_inputs(seed: int = 0) -> dict:
    key = jax.random.key(seed)
    k1, k2 = jax.random.split(key)
    positions = jax.random.uniform(k1, (BATCH, SEQ), dtype=jnp.float32)
    amplitudes = jax.random.normal(k2, (BATCH, MAX_N), dtype=jnp.float32)
    hermite_basis = _compute_hermite_basis(MAX_N, RESOLUTION, SIGMA)
    return {"positions": positions, "amplitudes": amplitudes, "hermite_basis": hermite_basis}


def reference(positions, amplitudes, hermite_basis):
    idx = jnp.clip(((positions + 1.0) / 2.0 * 255.0).astype(jnp.int32), 0, 255)
    # gather: basis_sampled[n, b, s] = hermite_basis[n, idx[b, s]]
    basis_sampled = jnp.take(hermite_basis, idx, axis=1)
    wavefunction = jnp.einsum('bn,nbs->bs', amplitudes, basis_sampled)
    return wavefunction

if __name__ == "__main__":
    import jax
    _d = setup_inputs()
    print(jax.jit(kernel)(*tuple(_d.values())))

</pallas_src>

<mosaic_0001>
#map = affine_map<(d0, d1) -> (0, 0)>
module attributes {stable_mosaic.version = 14 : i64} {
  func.func @_gather_body(%arg0: i32, %arg1: i32, %arg2: memref<8192x128xi32, #tpu.memory_space<hbm>>, %arg3: memref<8192x128xi32, #tpu.memory_space<hbm>>, %arg4: memref<8192x128xi32, #tpu.memory_space<hbm>>, %arg5: memref<2x128x128xi32, #tpu.memory_space<vmem>>, %arg6: memref<2x128x128xi32, #tpu.memory_space<vmem>>, %arg7: memref<2x128x128xi32, #tpu.memory_space<vmem>>, %arg8: memref<!tpu.dma_semaphore, #tpu.memory_space<semaphore_mem>>, %arg9: memref<!tpu.dma_semaphore, #tpu.memory_space<semaphore_mem>>, %arg10: memref<!tpu.dma_semaphore, #tpu.memory_space<semaphore_mem>>, %arg11: memref<!tpu.dma_semaphore, #tpu.memory_space<semaphore_mem>>) attributes {dimension_semantics = [#tpu.dimension_semantics<core_parallel>, #tpu.dimension_semantics<subcore_parallel>], iteration_bounds = array<i64: 2, 16>, scalar_prefetch = 0 : i64, scratch_operands = 7 : i64, tpu.core_type = #tpu.core_type<sc_vector_subcore>, window_params = [{transform_indices = #map}, {transform_indices = #map}, {transform_indices = #map}]} {
    %mul3A = arith.constant 2 : i32
    %mul3A_0 = arith.muli %arg1, %mul3A : i32
    %add3A = arith.addi %mul3A_0, %arg0 : i32
    %mul3A_1 = arith.constant 256 : i32
    %mul3A_2 = arith.muli %add3A, %mul3A_1 : i32
    %add3A_3 = arith.constant 0 : i32
    %add3A_4 = arith.addi %mul3A_2, %add3A_3 : i32
    %dma_start3A = arith.constant 0 : i32
    %dma_start3A_5 = arith.constant 0 : i32
    %dma_start3A_6 = arith.constant 0 : i32
    %dma_start3A_7 = tpu.memref_slice %arg5[%dma_start3A, %dma_start3A_5, %dma_start3A_6] : memref<2x128x128xi32, #tpu.memory_space<vmem>> -> memref<1x128x128xi32, #tpu.memory_space<vmem>>
    %dma_start3A_8 = tpu.memref_squeeze %dma_start3A_7 : memref<1x128x128xi32, #tpu.memory_space<vmem>> -> memref<128x128xi32, #tpu.memory_space<vmem>>
    %dma_start3A_9 = arith.constant 0 : i32
    %dma_start3A_10 = tpu.memref_slice %arg2[%add3A_4, %dma_start3A_9] : memref<8192x128xi32, #tpu.memory_space<hbm>> -> memref<128x128xi32, #tpu.memory_space<hbm>>
    %dma_start3A_11 = arith.constant 0 : i32
    %dma_start3A_12 = arith.constant 0 : i32
    %dma_start3A_13 = tpu.memref_slice %arg5[%dma_start3A, %dma_start3A_11, %dma_start3A_12] : memref<2x128x128xi32, #tpu.memory_space<vmem>> -> memref<1x128x128xi32, #tpu.memory_space<vmem>>
    %dma_start3A_14 = tpu.memref_squeeze %dma_start3A_13 : memref<1x128x128xi32, #tpu.memory_space<vmem>> -> memref<128x128xi32, #tpu.memory_space<vmem>>
    %dma_start3A_15 = arith.constant 0 : i32
    %dma_start3A_16 = tpu.memref_slice %arg2[%add3A_4, %dma_start3A_15] : memref<8192x128xi32, #tpu.memory_space<hbm>> -> memref<128x128xi32, #tpu.memory_space<hbm>>
    tpu.enqueue_dma source(%dma_start3A_16 : memref<128x128xi32, #tpu.memory_space<hbm>>) target(%dma_start3A_14 : memref<128x128xi32, #tpu.memory_space<vmem>>) target_semaphore(%arg8 : memref<!tpu.dma_semaphore, #tpu.memory_space<semaphore_mem>>)
    %dma_start3A_17 = arith.constant 0 : i32
    %dma_start3A_18 = arith.constant 0 : i32
    %dma_start3A_19 = arith.constant 0 : i32
    %dma_start3A_20 = tpu.memref_slice %arg6[%dma_start3A_17, %dma_start3A_18, %dma_start3A_19] : memref<2x128x128xi32, #tpu.memory_space<vmem>> -> memref<1x128x128xi32, #tpu.memory_space<vmem>>
    %dma_start3A_21 = tpu.memref_squeeze %dma_start3A_20 : memref<1x128x128xi32, #tpu.memory_space<vmem>> -> memref<128x128xi32, #tpu.memory_space<vmem>>
    %dma_start3A_22 = arith.constant 0 : i32
    %dma_start3A_23 = tpu.memref_slice %arg3[%add3A_4, %dma_start3A_22] : memref<8192x128xi32, #tpu.memory_space<hbm>> -> memref<128x128xi32, #tpu.memory_space<hbm>>
    %dma_start3A_24 = arith.constant 0 : i32
    %dma_start3A_25 = arith.constant 0 : i32
    %dma_start3A_26 = tpu.memref_slice %arg6[%dma_start3A_17, %dma_start3A_24, %dma_start3A_25] : memref<2x128x128xi32, #tpu.memory_space<vmem>> -> memref<1x128x128xi32, #tpu.memory_space<vmem>>
    %dma_start3A_27 = tpu.memref_squeeze %dma_start3A_26 : memref<1x128x128xi32, #tpu.memory_space<vmem>> -> memref<128x128xi32, #tpu.memory_space<vmem>>
    %dma_start3A_28 = arith.constant 0 : i32
    %dma_start3A_29 = tpu.memref_slice %arg3[%add3A_4, %dma_start3A_28] : memref<8192x128xi32, #tpu.memory_space<hbm>> -> memref<128x128xi32, #tpu.memory_space<hbm>>
    tpu.enqueue_dma source(%dma_start3A_29 : memref<128x128xi32, #tpu.memory_space<hbm>>) target(%dma_start3A_27 : memref<128x128xi32, #tpu.memory_space<vmem>>) target_semaphore(%arg8 : memref<!tpu.dma_semaphore, #tpu.memory_space<semaphore_mem>>)
    %add3A_30 = arith.constant 128 : i32
    %add3A_31 = arith.addi %mul3A_2, %add3A_30 : i32
    %dma_start3A_32 = arith.constant 1 : i32
    %dma_start3A_33 = arith.constant 0 : i32
    %dma_start3A_34 = arith.constant 0 : i32
    %dma_start3A_35 = tpu.memref_slice %arg5[%dma_start3A_32, %dma_start3A_33, %dma_start3A_34] : memref<2x128x128xi32, #tpu.memory_space<vmem>> -> memref<1x128x128xi32, #tpu.memory_space<vmem>>
    %dma_start3A_36 = tpu.memref_squeeze %dma_start3A_35 : memref<1x128x128xi32, #tpu.memory_space<vmem>> -> memref<128x128xi32, #tpu.memory_space<vmem>>
    %dma_start3A_37 = arith.constant 0 : i32
    %dma_start3A_38 = tpu.memref_slice %arg2[%add3A_31, %dma_start3A_37] : memref<8192x128xi32, #tpu.memory_space<hbm>> -> memref<128x128xi32, #tpu.memory_space<hbm>>
    %dma_start3A_39 = arith.constant 0 : i32
    %dma_start3A_40 = arith.constant 0 : i32
    %dma_start3A_41 = tpu.memref_slice %arg5[%dma_start3A_32, %dma_start3A_39, %dma_start3A_40] : memref<2x128x128xi32, #tpu.memory_space<vmem>> -> memref<1x128x128xi32, #tpu.memory_space<vmem>>
    %dma_start3A_42 = tpu.memref_squeeze %dma_start3A_41 : memref<1x128x128xi32, #tpu.memory_space<vmem>> -> memref<128x128xi32, #tpu.memory_space<vmem>>
    %dma_start3A_43 = arith.constant 0 : i32
    %dma_start3A_44 = tpu.memref_slice %arg2[%add3A_31, %dma_start3A_43] : memref<8192x128xi32, #tpu.memory_space<hbm>> -> memref<128x128xi32, #tpu.memory_space<hbm>>
    tpu.enqueue_dma source(%dma_start3A_44 : memref<128x128xi32, #tpu.memory_space<hbm>>) target(%dma_start3A_42 : memref<128x128xi32, #tpu.memory_space<vmem>>) target_semaphore(%arg9 : memref<!tpu.dma_semaphore, #tpu.memory_space<semaphore_mem>>)
    %dma_start3A_45 = arith.constant 1 : i32
    %dma_start3A_46 = arith.constant 0 : i32
    %dma_start3A_47 = arith.constant 0 : i32
    %dma_start3A_48 = tpu.memref_slice %arg6[%dma_start3A_45, %dma_start3A_46, %dma_start3A_47] : memref<2x128x128xi32, #tpu.memory_space<vmem>> -> memref<1x128x128xi32, #tpu.memory_space<vmem>>
    %dma_start3A_49 = tpu.memref_squeeze %dma_start3A_48 : memref<1x128x128xi32, #tpu.memory_space<vmem>> -> memref<128x128xi32, #tpu.memory_space<vmem>>
    %dma_start3A_50 = arith.constant 0 : i32
    %dma_start3A_51 = tpu.memref_slice %arg3[%add3A_31, %dma_start3A_50] : memref<8192x128xi32, #tpu.memory_space<hbm>> -> memref<128x128xi32, #tpu.memory_space<hbm>>
    %dma_start3A_52 = arith.constant 0 : i32
    %dma_start3A_53 = arith.constant 0 : i32
    %dma_start3A_54 = tpu.memref_slice %arg6[%dma_start3A_45, %dma_start3A_52, %dma_start3A_53] : memref<2x128x128xi32, #tpu.memory_space<vmem>> -> memref<1x128x128xi32, #tpu.memory_space<vmem>>
    %dma_start3A_55 = tpu.memref_squeeze %dma_start3A_54 : memref<1x128x128xi32, #tpu.memory_space<vmem>> -> memref<128x128xi32, #tpu.memory_space<vmem>>
    %dma_start3A_56 = arith.constant 0 : i32
    %dma_start3A_57 = tpu.memref_slice %arg3[%add3A_31, %dma_start3A_56] : memref<8192x128xi32, #tpu.memory_space<hbm>> -> memref<128x128xi32, #tpu.memory_space<hbm>>
    tpu.enqueue_dma source(%dma_start3A_57 : memref<128x128xi32, #tpu.memory_space<hbm>>) target(%dma_start3A_55 : memref<128x128xi32, #tpu.memory_space<vmem>>) target_semaphore(%arg9 : memref<!tpu.dma_semaphore, #tpu.memory_space<semaphore_mem>>)
    %add3A_58 = arith.constant 0 : i32
    %add3A_59 = arith.addi %mul3A_2, %add3A_58 : i32
    %dma_wait3A = arith.constant 0 : i32
    %dma_wait3A_60 = arith.constant 0 : i32
    %dma_wait3A_61 = arith.constant 0 : i32
    %dma_wait3A_62 = tpu.memref_slice %arg5[%dma_wait3A, %dma_wait3A_60, %dma_wait3A_61] : memref<2x128x128xi32, #tpu.memory_space<vmem>> -> memref<1x128x128xi32, #tpu.memory_space<vmem>>
    %dma_wait3A_63 = tpu.memref_squeeze %dma_wait3A_62 : memref<1x128x128xi32, #tpu.memory_space<vmem>> -> memref<128x128xi32, #tpu.memory_space<vmem>>
    %dma_wait3A_64 = arith.constant 0 : i32
    %dma_wait3A_65 = tpu.memref_slice %arg2[%add3A_59, %dma_wait3A_64] : memref<8192x128xi32, #tpu.memory_space<hbm>> -> memref<128x128xi32, #tpu.memory_space<hbm>>
    %dma_wait3A_66 = arith.constant 0 : i32
    %dma_wait3A_67 = arith.constant 0 : i32
    %dma_wait3A_68 = tpu.memref_slice %arg5[%dma_wait3A, %dma_wait3A_66, %dma_wait3A_67] : memref<2x128x128xi32, #tpu.memory_space<vmem>> -> memref<1x128x128xi32, #tpu.memory_space<vmem>>
    %dma_wait3A_69 = tpu.memref_squeeze %dma_wait3A_68 : memref<1x128x128xi32, #tpu.memory_space<vmem>> -> memref<128x128xi32, #tpu.memory_space<vmem>>
    %dma_wait3A_70 = arith.constant 0 : i32
    %dma_wait3A_71 = tpu.memref_slice %arg2[%add3A_59, %dma_wait3A_70] : memref<8192x128xi32, #tpu.memory_space<hbm>> -> memref<128x128xi32, #tpu.memory_space<hbm>>
    tpu.wait_dma2 semaphore(%arg8 : memref<!tpu.dma_semaphore, #tpu.memory_space<semaphore_mem>>) src(%dma_wait3A_71 : memref<128x128xi32, #tpu.memory_space<hbm>>) dst(%dma_wait3A_69 : memref<128x128xi32, #tpu.memory_space<vmem>>)
    %dma_wait3A_72 = arith.constant 0 : i32
    %dma_wait3A_73 = arith.constant 0 : i32
    %dma_wait3A_74 = arith.constant 0 : i32
    %dma_wait3A_75 = tpu.memref_slice %arg6[%dma_wait3A_72, %dma_wait3A_73, %dma_wait3A_74] : memref<2x128x128xi32, #tpu.memory_space<vmem>> -> memref<1x128x128xi32, #tpu.memory_space<vmem>>
    %dma_wait3A_76 = tpu.memref_squeeze %dma_wait3A_75 : memref<1x128x128xi32, #tpu.memory_space<vmem>> -> memref<128x128xi32, #tpu.memory_space<vmem>>
    %dma_wait3A_77 = arith.constant 0 : i32
    %dma_wait3A_78 = tpu.memref_slice %arg3[%add3A_59, %dma_wait3A_77] : memref<8192x128xi32, #tpu.memory_space<hbm>> -> memref<128x128xi32, #tpu.memory_space<hbm>>
    %dma_wait3A_79 = arith.constant 0 : i32
    %dma_wait3A_80 = arith.constant 0 : i32
    %dma_wait3A_81 = tpu.memref_slice %arg6[%dma_wait3A_72, %dma_wait3A_79, %dma_wait3A_80] : memref<2x128x128xi32, #tpu.memory_space<vmem>> -> memref<1x128x128xi32, #tpu.memory_space<vmem>>
    %dma_wait3A_82 = tpu.memref_squeeze %dma_wait3A_81 : memref<1x128x128xi32, #tpu.memory_space<vmem>> -> memref<128x128xi32, #tpu.memory_space<vmem>>
    %dma_wait3A_83 = arith.constant 0 : i32
    %dma_wait3A_84 = tpu.memref_slice %arg3[%add3A_59, %dma_wait3A_83] : memref<8192x128xi32, #tpu.memory_space<hbm>> -> memref<128x128xi32, #tpu.memory_space<hbm>>
    tpu.wait_dma2 semaphore(%arg8 : memref<!tpu.dma_semaphore, #tpu.memory_space<semaphore_mem>>) src(%dma_wait3A_84 : memref<128x128xi32, #tpu.memory_space<hbm>>) dst(%dma_wait3A_82 : memref<128x128xi32, #tpu.memory_space<vmem>>)
    %parallel_loop3A = arith.constant 0 : i32
    %parallel_loop3A_85 = arith.constant 1024 : i32
    %parallel_loop3A_86 = arith.constant 1 : i32
    scf.for %parallel_loop3A_178 = %parallel_loop3A to %parallel_loop3A_85 step %parallel_loop3A_86  : i32 {
      %parallel_loop3A_179 = arith.constant 3 : i32
      %parallel_loop3A_180 = arith.shrsi %parallel_loop3A_178, %parallel_loop3A_179 : i32
      %parallel_loop3A_181 = arith.constant 7 : i32
      %parallel_loop3A_182 = arith.andi %parallel_loop3A_178, %parallel_loop3A_181 : i32
      %parallel_loop3A_183 = arith.constant 16 : i32
      %parallel_loop3A_184 = arith.muli %parallel_loop3A_182, %parallel_loop3A_183 : i32
      %parallel_loop3A_185 = arith.constant 0 : i32
      %parallel_loop3A_186 = arith.index_cast %parallel_loop3A_185 : i32 to index
      %parallel_loop3A_187 = arith.index_cast %parallel_loop3A_180 : i32 to index
      %parallel_loop3A_188 = arith.index_cast %parallel_loop3A_184 : i32 to index
      %parallel_loop3A_189 = tpu.vector_load %arg5[%parallel_loop3A_186, %parallel_loop3A_187, %parallel_loop3A_188] {strides = array<i32>} : memref<2x128x128xi32, #tpu.memory_space<vmem>>, vector<16xi32>,
      %parallel_loop3A_190 = arith.constant 255 : i32
      %parallel_loop3A_191 = vector.broadcast %parallel_loop3A_190 : i32 to vector<16xi32>
      %parallel_loop3A_192 = arith.andi %parallel_loop3A_189, %parallel_loop3A_191 : vector<16xi32>
      %parallel_loop3A_193 = arith.constant 8 : i32
      %parallel_loop3A_194 = vector.broadcast %parallel_loop3A_193 : i32 to vector<16xi32>
      %parallel_loop3A_195 = arith.shrsi %parallel_loop3A_189, %parallel_loop3A_194 : vector<16xi32>
      %parallel_loop3A_196 = arith.constant 255 : i32
      %parallel_loop3A_197 = vector.broadcast %parallel_loop3A_196 : i32 to vector<16xi32>
      %parallel_loop3A_198 = arith.andi %parallel_loop3A_195, %parallel_loop3A_197 : vector<16xi32>
      %parallel_loop3A_199 = vector.broadcast %parallel_loop3A_180 : i32 to vector<16xi32>
      %parallel_loop3A_200 = arith.constant 127 : i32
      %parallel_loop3A_201 = vector.broadcast %parallel_loop3A_200 : i32 to vector<16xi32>
      %parallel_loop3A_202 = arith.andi %parallel_loop3A_192, %parallel_loop3A_201 : vector<16xi32>
      %parallel_loop3A_203 = arith.constant 0 : i32
      %parallel_loop3A_204 = arith.constant 0 : i32
      %parallel_loop3A_205 = arith.constant 0 : i32
      %parallel_loop3A_206 = tpu.memref_slice %arg6[%parallel_loop3A_203, %parallel_loop3A_204, %parallel_loop3A_205] : memref<2x128x128xi32, #tpu.memory_space<vmem>> -> memref<1x128x128xi32, #tpu.memory_space<vmem>>
      %parallel_loop3A_207 = tpu.memref_squeeze %parallel_loop3A_206 : memref<1x128x128xi32, #tpu.memory_space<vmem>> -> memref<128x128xi32, #tpu.memory_space<vmem>>
      %parallel_loop3A_208 = tpu.vector_load_idx %parallel_loop3A_207[%parallel_loop3A_199, %parallel_loop3A_202] : memref<128x128xi32, #tpu.memory_space<vmem>>[vector<16xi32>, vector<16xi32>], vector<16xi32>,
      %parallel_loop3A_209 = vector.broadcast %parallel_loop3A_180 : i32 to vector<16xi32>
      %parallel_loop3A_210 = arith.constant 127 : i32
      %parallel_loop3A_211 = vector.broadcast %parallel_loop3A_210 : i32 to vector<16xi32>
      %parallel_loop3A_212 = arith.andi %parallel_loop3A_198, %parallel_loop3A_211 : vector<16xi32>
      %parallel_loop3A_213 = arith.constant 0 : i32
      %parallel_loop3A_214 = arith.constant 0 : i32
      %parallel_loop3A_215 = arith.constant 0 : i32
      %parallel_loop3A_216 = tpu.memref_slice %arg6[%parallel_loop3A_213, %parallel_loop3A_214, %parallel_loop3A_215] : memref<2x128x128xi32, #tpu.memory_space<vmem>> -> memref<1x128x128xi32, #tpu.memory_space<vmem>>
      %parallel_loop3A_217 = tpu.memref_squeeze %parallel_loop3A_216 : memref<1x128x128xi32, #tpu.memory_space<vmem>> -> memref<128x128xi32, #tpu.memory_space<vmem>>
      %parallel_loop3A_218 = tpu.vector_load_idx %parallel_loop3A_217[%parallel_loop3A_209, %parallel_loop3A_212] : memref<128x128xi32, #tpu.memory_space<vmem>>[vector<16xi32>, vector<16xi32>], vector<16xi32>,
      %parallel_loop3A_219 = arith.constant 127 : i32
      %parallel_loop3A_220 = vector.broadcast %parallel_loop3A_219 : i32 to vector<16xi32>
      %parallel_loop3A_221 = arith.cmpi sgt, %parallel_loop3A_192, %parallel_loop3A_220 : vector<16xi32>
      %parallel_loop3A_222 = arith.constant 16 : i32
      %parallel_loop3A_223 = vector.broadcast %parallel_loop3A_222 : i32 to vector<16xi32>
      %parallel_loop3A_224 = arith.shrsi %parallel_loop3A_208, %parallel_loop3A_223 : vector<16xi32>
      %parallel_loop3A_225 = arith.constant 65535 : i32
      %parallel_loop3A_226 = vector.broadcast %parallel_loop3A_225 : i32 to vector<16xi32>
      %parallel_loop3A_227 = arith.andi %parallel_loop3A_224, %parallel_loop3A_226 : vector<16xi32>
      %parallel_loop3A_228 = arith.constant 65535 : i32
      %parallel_loop3A_229 = vector.broadcast %parallel_loop3A_228 : i32 to vector<16xi32>
      %parallel_loop3A_230 = arith.andi %parallel_loop3A_208, %parallel_loop3A_229 : vector<16xi32>
      %parallel_loop3A_231 = arith.select %parallel_loop3A_221, %parallel_loop3A_227, %parallel_loop3A_230 : vector<16xi1>, vector<16xi32>
      %parallel_loop3A_232 = arith.constant 127 : i32
      %parallel_loop3A_233 = vector.broadcast %parallel_loop3A_232 : i32 to vector<16xi32>
      %parallel_loop3A_234 = arith.cmpi sgt, %parallel_loop3A_198, %parallel_loop3A_233 : vector<16xi32>
      %parallel_loop3A_235 = arith.constant -65536 : i32
      %parallel_loop3A_236 = vector.broadcast %parallel_loop3A_235 : i32 to vector<16xi32>
      %parallel_loop3A_237 = arith.andi %parallel_loop3A_218, %parallel_loop3A_236 : vector<16xi32>
      %parallel_loop3A_238 = arith.constant 16 : i32
      %parallel_loop3A_239 = vector.broadcast %parallel_loop3A_238 : i32 to vector<16xi32>
      %parallel_loop3A_240 = arith.shli %parallel_loop3A_218, %parallel_loop3A_239 : vector<16xi32>
      %parallel_loop3A_241 = arith.select %parallel_loop3A_234, %parallel_loop3A_237, %parallel_loop3A_240 : vector<16xi1>, vector<16xi32>
      %parallel_loop3A_242 = arith.ori %parallel_loop3A_231, %parallel_loop3A_241 : vector<16xi32>
      %parallel_loop3A_243 = arith.constant 0 : i32
      %parallel_loop3A_244 = arith.index_cast %parallel_loop3A_243 : i32 to index
      %parallel_loop3A_245 = arith.index_cast %parallel_loop3A_180 : i32 to index
      %parallel_loop3A_246 = arith.index_cast %parallel_loop3A_184 : i32 to index
      %parallel_loop3A_247 = tpu.vector_load %arg7[%parallel_loop3A_244, %parallel_loop3A_245, %parallel_loop3A_246] {strides = array<i32>} : memref<2x128x128xi32, #tpu.memory_space<vmem>>, vector<16xi32>,
      tpu.vector_store %arg7[%parallel_loop3A_244, %parallel_loop3A_245, %parallel_loop3A_246], %parallel_loop3A_242 {strides = array<i32>} : memref<2x128x128xi32, #tpu.memory_space<vmem>>, vector<16xi32>,
    } {sc.loop_unroll_factor = 8 : i64, sc.parallel_access}
    %add3A_87 = arith.constant 0 : i32
    %add3A_88 = arith.addi %mul3A_2, %add3A_87 : i32
    %dma_start3A_89 = arith.constant 0 : i32
    %dma_start3A_90 = arith.constant 0 : i32
    %dma_start3A_91 = arith.constant 0 : i32
    %dma_start3A_92 = tpu.memref_slice %arg7[%dma_start3A_89, %dma_start3A_90, %dma_start3A_91] : memref<2x128x128xi32, #tpu.memory_space<vmem>> -> memref<1x128x128xi32, #tpu.memory_space<vmem>>
    %dma_start3A_93 = tpu.memref_squeeze %dma_start3A_92 : memref<1x128x128xi32, #tpu.memory_space<vmem>> -> memref<128x128xi32, #tpu.memory_space<vmem>>
    %dma_start3A_94 = arith.constant 0 : i32
    %dma_start3A_95 = tpu.memref_slice %arg4[%add3A_88, %dma_start3A_94] : memref<8192x128xi32, #tpu.memory_space<hbm>> -> memref<128x128xi32, #tpu.memory_space<hbm>>
    %dma_start3A_96 = arith.constant 0 : i32
    %dma_start3A_97 = tpu.memref_slice %arg4[%add3A_88, %dma_start3A_96] : memref<8192x128xi32, #tpu.memory_space<hbm>> -> memref<128x128xi32, #tpu.memory_space<hbm>>
    %dma_start3A_98 = arith.constant 0 : i32
    %dma_start3A_99 = arith.constant 0 : i32
    %dma_start3A_100 = tpu.memref_slice %arg7[%dma_start3A_89, %dma_start3A_98, %dma_start3A_99] : memref<2x128x128xi32, #tpu.memory_space<vmem>> -> memref<1x128x128xi32, #tpu.memory_space<vmem>>
    %dma_start3A_101 = tpu.memref_squeeze %dma_start3A_100 : memref<1x128x128xi32, #tpu.memory_space<vmem>> -> memref<128x128xi32, #tpu.memory_space<vmem>>
    tpu.enqueue_dma source(%dma_start3A_101 : memref<128x128xi32, #tpu.memory_space<vmem>>) target(%dma_start3A_97 : memref<128x128xi32, #tpu.memory_space<hbm>>) target_semaphore(%arg10 : memref<!tpu.dma_semaphore, #tpu.memory_space<semaphore_mem>>)
    %add3A_102 = arith.constant 128 : i32
    %add3A_103 = arith.addi %mul3A_2, %add3A_102 : i32
    %dma_wait3A_104 = arith.constant 1 : i32
    %dma_wait3A_105 = arith.constant 0 : i32
    %dma_wait3A_106 = arith.constant 0 : i32
    %dma_wait3A_107 = tpu.memref_slice %arg5[%dma_wait3A_104, %dma_wait3A_105, %dma_wait3A_106] : memref<2x128x128xi32, #tpu.memory_space<vmem>> -> memref<1x128x128xi32, #tpu.memory_space<vmem>>
    %dma_wait3A_108 = tpu.memref_squeeze %dma_wait3A_107 : memref<1x128x128xi32, #tpu.memory_space<vmem>> -> memref<128x128xi32, #tpu.memory_space<vmem>>
    %dma_wait3A_109 = arith.constant 0 : i32
    %dma_wait3A_110 = tpu.memref_slice %arg2[%add3A_103, %dma_wait3A_109] : memref<8192x128xi32, #tpu.memory_space<hbm>> -> memref<128x128xi32, #tpu.memory_space<hbm>>
    %dma_wait3A_111 = arith.constant 0 : i32
    %dma_wait3A_112 = arith.constant 0 : i32
    %dma_wait3A_113 = tpu.memref_slice %arg5[%dma_wait3A_104, %dma_wait3A_111, %dma_wait3A_112] : memref<2x128x128xi32, #tpu.memory_space<vmem>> -> memref<1x128x128xi32, #tpu.memory_space<vmem>>
    %dma_wait3A_114 = tpu.memref_squeeze %dma_wait3A_113 : memref<1x128x128xi32, #tpu.memory_space<vmem>> -> memref<128x128xi32, #tpu.memory_space<vmem>>
    %dma_wait3A_115 = arith.constant 0 : i32
    %dma_wait3A_116 = tpu.memref_slice %arg2[%add3A_103, %dma_wait3A_115] : memref<8192x128xi32, #tpu.memory_space<hbm>> -> memref<128x128xi32, #tpu.memory_space<hbm>>
    tpu.wait_dma2 semaphore(%arg9 : memref<!tpu.dma_semaphore, #tpu.memory_space<semaphore_mem>>) src(%dma_wait3A_116 : memref<128x128xi32, #tpu.memory_space<hbm>>) dst(%dma_wait3A_114 : memref<128x128xi32, #tpu.memory_space<vmem>>)
    %dma_wait3A_117 = arith.constant 1 : i32
    %dma_wait3A_118 = arith.constant 0 : i32
    %dma_wait3A_119 = arith.constant 0 : i32
    %dma_wait3A_120 = tpu.memref_slice %arg6[%dma_wait3A_117, %dma_wait3A_118, %dma_wait3A_119] : memref<2x128x128xi32, #tpu.memory_space<vmem>> -> memref<1x128x128xi32, #tpu.memory_space<vmem>>
    %dma_wait3A_121 = tpu.memref_squeeze %dma_wait3A_120 : memref<1x128x128xi32, #tpu.memory_space<vmem>> -> memref<128x128xi32, #tpu.memory_space<vmem>>
    %dma_wait3A_122 = arith.constant 0 : i32
    %dma_wait3A_123 = tpu.memref_slice %arg3[%add3A_103, %dma_wait3A_122] : memref<8192x128xi32, #tpu.memory_space<hbm>> -> memref<128x128xi32, #tpu.memory_space<hbm>>
    %dma_wait3A_124 = arith.constant 0 : i32
    %dma_wait3A_125 = arith.constant 0 : i32
    %dma_wait3A_126 = tpu.memref_slice %arg6[%dma_wait3A_117, %dma_wait3A_124, %dma_wait3A_125] : memref<2x128x128xi32, #tpu.memory_space<vmem>> -> memref<1x128x128xi32, #tpu.memory_space<vmem>>
    %dma_wait3A_127 = tpu.memref_squeeze %dma_wait3A_126 : memref<1x128x128xi32, #tpu.memory_space<vmem>> -> memref<128x128xi32, #tpu.memory_space<vmem>>
    %dma_wait3A_128 = arith.constant 0 : i32
    %dma_wait3A_129 = tpu.memref_slice %arg3[%add3A_103, %dma_wait3A_128] : memref<8192x128xi32, #tpu.memory_space<hbm>> -> memref<128x128xi32, #tpu.memory_space<hbm>>
    tpu.wait_dma2 semaphore(%arg9 : memref<!tpu.dma_semaphore, #tpu.memory_space<semaphore_mem>>) src(%dma_wait3A_129 : memref<128x128xi32, #tpu.memory_space<hbm>>) dst(%dma_wait3A_127 : memref<128x128xi32, #tpu.memory_space<vmem>>)
    %parallel_loop3A_130 = arith.constant 0 : i32
    %parallel_loop3A_131 = arith.constant 1024 : i32
    %parallel_loop3A_132 = arith.constant 1 : i32
    scf.for %parallel_loop3A_178 = %parallel_loop3A_130 to %parallel_loop3A_131 step %parallel_loop3A_132  : i32 {
      %parallel_loop3A_179 = arith.constant 3 : i32
      %parallel_loop3A_180 = arith.shrsi %parallel_loop3A_178, %parallel_loop3A_179 : i32
      %parallel_loop3A_181 = arith.constant 7 : i32
      %parallel_loop3A_182 = arith.andi %parallel_loop3A_178, %parallel_loop3A_181 : i32
      %parallel_loop3A_183 = arith.constant 16 : i32
      %parallel_loop3A_184 = arith.muli %parallel_loop3A_182, %parallel_loop3A_183 : i32
      %parallel_loop3A_185 = arith.constant 1 : i32
      %parallel_loop3A_186 = arith.index_cast %parallel_loop3A_185 : i32 to index
      %parallel_loop3A_187 = arith.index_cast %parallel_loop3A_180 : i32 to index
      %parallel_loop3A_188 = arith.index_cast %parallel_loop3A_184 : i32 to index
      %parallel_loop3A_189 = tpu.vector_load %arg5[%parallel_loop3A_186, %parallel_loop3A_187, %parallel_loop3A_188] {strides = array<i32>} : memref<2x128x128xi32, #tpu.memory_space<vmem>>, vector<16xi32>,
      %parallel_loop3A_190 = arith.constant 255 : i32
      %parallel_loop3A_191 = vector.broadcast %parallel_loop3A_190 : i32 to vector<16xi32>
      %parallel_loop3A_192 = arith.andi %parallel_loop3A_189, %parallel_loop3A_191 : vector<16xi32>
      %parallel_loop3A_193 = arith.constant 8 : i32
      %parallel_loop3A_194 = vector.broadcast %parallel_loop3A_193 : i32 to vector<16xi32>
      %parallel_loop3A_195 = arith.shrsi %parallel_loop3A_189, %parallel_loop3A_194 : vector<16xi32>
      %parallel_loop3A_196 = arith.constant 255 : i32
      %parallel_loop3A_197 = vector.broadcast %parallel_loop3A_196 : i32 to vector<16xi32>
      %parallel_loop3A_198 = arith.andi %parallel_loop3A_195, %parallel_loop3A_197 : vector<16xi32>
      %parallel_loop3A_199 = vector.broadcast %parallel_loop3A_180 : i32 to vector<16xi32>
      %parallel_loop3A_200 = arith.constant 127 : i32
      %parallel_loop3A_201 = vector.broadcast %parallel_loop3A_200 : i32 to vector<16xi32>
      %parallel_loop3A_202 = arith.andi %parallel_loop3A_192, %parallel_loop3A_201 : vector<16xi32>
      %parallel_loop3A_203 = arith.constant 1 : i32
      %parallel_loop3A_204 = arith.constant 0 : i32
      %parallel_loop3A_205 = arith.constant 0 : i32
      %parallel_loop3A_206 = tpu.memref_slice %arg6[%parallel_loop3A_203, %parallel_loop3A_204, %parallel_loop3A_205] : memref<2x128x128xi32, #tpu.memory_space<vmem>> -> memref<1x128x128xi32, #tpu.memory_space<vmem>>
      %parallel_loop3A_207 = tpu.memref_squeeze %parallel_loop3A_206 : memref<1x128x128xi32, #tpu.memory_space<vmem>> -> memref<128x128xi32, #tpu.memory_space<vmem>>
      %parallel_loop3A_208 = tpu.vector_load_idx %parallel_loop3A_207[%parallel_loop3A_199, %parallel_loop3A_202] : memref<128x128xi32, #tpu.memory_space<vmem>>[vector<16xi32>, vector<16xi32>], vector<16xi32>,
      %parallel_loop3A_209 = vector.broadcast %parallel_loop3A_180 : i32 to vector<16xi32>
      %parallel_loop3A_210 = arith.constant 127 : i32
      %parallel_loop3A_211 = vector.broadcast %parallel_loop3A_210 : i32 to vector<16xi32>
      %parallel_loop3A_212 = arith.andi %parallel_loop3A_198, %parallel_loop3A_211 : vector<16xi32>
      %parallel_loop3A_213 = arith.constant 1 : i32
      %parallel_loop3A_214 = arith.constant 0 : i32
      %parallel_loop3A_215 = arith.constant 0 : i32
      %parallel_loop3A_216 = tpu.memref_slice %arg6[%parallel_loop3A_213, %parallel_loop3A_214, %parallel_loop3A_215] : memref<2x128x128xi32, #tpu.memory_space<vmem>> -> memref<1x128x128xi32, #tpu.memory_space<vmem>>
      %parallel_loop3A_217 = tpu.memref_squeeze %parallel_loop3A_216 : memref<1x128x128xi32, #tpu.memory_space<vmem>> -> memref<128x128xi32, #tpu.memory_space<vmem>>
      %parallel_loop3A_218 = tpu.vector_load_idx %parallel_loop3A_217[%parallel_loop3A_209, %parallel_loop3A_212] : memref<128x128xi32, #tpu.memory_space<vmem>>[vector<16xi32>, vector<16xi32>], vector<16xi32>,
      %parallel_loop3A_219 = arith.constant 127 : i32
      %parallel_loop3A_220 = vector.broadcast %parallel_loop3A_219 : i32 to vector<16xi32>
      %parallel_loop3A_221 = arith.cmpi sgt, %parallel_loop3A_192, %parallel_loop3A_220 : vector<16xi32>
      %parallel_loop3A_222 = arith.constant 16 : i32
      %parallel_loop3A_223 = vector.broadcast %parallel_loop3A_222 : i32 to vector<16xi32>
      %parallel_loop3A_224 = arith.shrsi %parallel_loop3A_208, %parallel_loop3A_223 : vector<16xi32>
      %parallel_loop3A_225 = arith.constant 65535 : i32
      %parallel_loop3A_226 = vector.broadcast %parallel_loop3A_225 : i32 to vector<16xi32>
      %parallel_loop3A_227 = arith.andi %parallel_loop3A_224, %parallel_loop3A_226 : vector<16xi32>
      %parallel_loop3A_228 = arith.constant 65535 : i32
      %parallel_loop3A_229 = vector.broadcast %parallel_loop3A_228 : i32 to vector<16xi32>
      %parallel_loop3A_230 = arith.andi %parallel_loop3A_208, %parallel_loop3A_229 : vector<16xi32>
      %parallel_loop3A_231 = arith.select %parallel_loop3A_221, %parallel_loop3A_227, %parallel_loop3A_230 : vector<16xi1>, vector<16xi32>
      %parallel_loop3A_232 = arith.constant 127 : i32
      %parallel_loop3A_233 = vector.broadcast %parallel_loop3A_232 : i32 to vector<16xi32>
      %parallel_loop3A_234 = arith.cmpi sgt, %parallel_loop3A_198, %parallel_loop3A_233 : vector<16xi32>
      %parallel_loop3A_235 = arith.constant -65536 : i32
      %parallel_loop3A_236 = vector.broadcast %parallel_loop3A_235 : i32 to vector<16xi32>
      %parallel_loop3A_237 = arith.andi %parallel_loop3A_218, %parallel_loop3A_236 : vector<16xi32>
      %parallel_loop3A_238 = arith.constant 16 : i32
      %parallel_loop3A_239 = vector.broadcast %parallel_loop3A_238 : i32 to vector<16xi32>
      %parallel_loop3A_240 = arith.shli %parallel_loop3A_218, %parallel_loop3A_239 : vector<16xi32>
      %parallel_loop3A_241 = arith.select %parallel_loop3A_234, %parallel_loop3A_237, %parallel_loop3A_240 : vector<16xi1>, vector<16xi32>
      %parallel_loop3A_242 = arith.ori %parallel_loop3A_231, %parallel_loop3A_241 : vector<16xi32>
      %parallel_loop3A_243 = arith.constant 1 : i32
      %parallel_loop3A_244 = arith.index_cast %parallel_loop3A_243 : i32 to index
      %parallel_loop3A_245 = arith.index_cast %parallel_loop3A_180 : i32 to index
      %parallel_loop3A_246 = arith.index_cast %parallel_loop3A_184 : i32 to index
      %parallel_loop3A_247 = tpu.vector_load %arg7[%parallel_loop3A_244, %parallel_loop3A_245, %parallel_loop3A_246] {strides = array<i32>} : memref<2x128x128xi32, #tpu.memory_space<vmem>>, vector<16xi32>,
      tpu.vector_store %arg7[%parallel_loop3A_244, %parallel_loop3A_245, %parallel_loop3A_246], %parallel_loop3A_242 {strides = array<i32>} : memref<2x128x128xi32, #tpu.memory_space<vmem>>, vector<16xi32>,
    } {sc.loop_unroll_factor = 8 : i64, sc.parallel_access}
    %add3A_133 = arith.constant 128 : i32
    %add3A_134 = arith.addi %mul3A_2, %add3A_133 : i32
    %dma_start3A_135 = arith.constant 1 : i32
    %dma_start3A_136 = arith.constant 0 : i32
    %dma_start3A_137 = arith.constant 0 : i32
    %dma_start3A_138 = tpu.memref_slice %arg7[%dma_start3A_135, %dma_start3A_136, %dma_start3A_137] : memref<2x128x128xi32, #tpu.memory_space<vmem>> -> memref<1x128x128xi32, #tpu.memory_space<vmem>>
    %dma_start3A_139 = tpu.memref_squeeze %dma_start3A_138 : memref<1x128x128xi32, #tpu.memory_space<vmem>> -> memref<128x128xi32, #tpu.memory_space<vmem>>
    %dma_start3A_140 = arith.constant 0 : i32
    %dma_start3A_141 = tpu.memref_slice %arg4[%add3A_134, %dma_start3A_140] : memref<8192x128xi32, #tpu.memory_space<hbm>> -> memref<128x128xi32, #tpu.memory_space<hbm>>
    %dma_start3A_142 = arith.constant 0 : i32
    %dma_start3A_143 = tpu.memref_slice %arg4[%add3A_134, %dma_start3A_142] : memref<8192x128xi32, #tpu.memory_space<hbm>> -> memref<128x128xi32, #tpu.memory_space<hbm>>
    %dma_start3A_144 = arith.constant 0 : i32
    %dma_start3A_145 = arith.constant 0 : i32
    %dma_start3A_146 = tpu.memref_slice %arg7[%dma_start3A_135, %dma_start3A_144, %dma_start3A_145] : memref<2x128x128xi32, #tpu.memory_space<vmem>> -> memref<1x128x128xi32, #tpu.memory_space<vmem>>
    %dma_start3A_147 = tpu.memref_squeeze %dma_start3A_146 : memref<1x128x128xi32, #tpu.memory_space<vmem>> -> memref<128x128xi32, #tpu.memory_space<vmem>>
    tpu.enqueue_dma source(%dma_start3A_147 : memref<128x128xi32, #tpu.memory_space<vmem>>) target(%dma_start3A_143 : memref<128x128xi32, #tpu.memory_space<hbm>>) target_semaphore(%arg11 : memref<!tpu.dma_semaphore, #tpu.memory_space<semaphore_mem>>)
    %add3A_148 = arith.constant 0 : i32
    %add3A_149 = arith.addi %mul3A_2, %add3A_148 : i32
    %dma_wait3A_150 = arith.constant 0 : i32
    %dma_wait3A_151 = arith.constant 0 : i32
    %dma_wait3A_152 = arith.constant 0 : i32
    %dma_wait3A_153 = tpu.memref_slice %arg7[%dma_wait3A_150, %dma_wait3A_151, %dma_wait3A_152] : memref<2x128x128xi32, #tpu.memory_space<vmem>> -> memref<1x128x128xi32, #tpu.memory_space<vmem>>
    %dma_wait3A_154 = tpu.memref_squeeze %dma_wait3A_153 : memref<1x128x128xi32, #tpu.memory_space<vmem>> -> memref<128x128xi32, #tpu.memory_space<vmem>>
    %dma_wait3A_155 = arith.constant 0 : i32
    %dma_wait3A_156 = tpu.memref_slice %arg4[%add3A_149, %dma_wait3A_155] : memref<8192x128xi32, #tpu.memory_space<hbm>> -> memref<128x128xi32, #tpu.memory_space<hbm>>
    %dma_wait3A_157 = arith.constant 0 : i32
    %dma_wait3A_158 = tpu.memref_slice %arg4[%add3A_149, %dma_wait3A_157] : memref<8192x128xi32, #tpu.memory_space<hbm>> -> memref<128x128xi32, #tpu.memory_space<hbm>>
    %dma_wait3A_159 = arith.constant 0 : i32
    %dma_wait3A_160 = arith.constant 0 : i32
    %dma_wait3A_161 = tpu.memref_slice %arg7[%dma_wait3A_150, %dma_wait3A_159, %dma_wait3A_160] : memref<2x128x128xi32, #tpu.memory_space<vmem>> -> memref<1x128x128xi32, #tpu.memory_space<vmem>>
    %dma_wait3A_162 = tpu.memref_squeeze %dma_wait3A_161 : memref<1x128x128xi32, #tpu.memory_space<vmem>> -> memref<128x128xi32, #tpu.memory_space<vmem>>
    tpu.wait_dma2 semaphore(%arg10 : memref<!tpu.dma_semaphore, #tpu.memory_space<semaphore_mem>>) src(%dma_wait3A_162 : memref<128x128xi32, #tpu.memory_space<vmem>>) dst(%dma_wait3A_158 : memref<128x128xi32, #tpu.memory_space<hbm>>)
    %add3A_163 = arith.constant 128 : i32
    %add3A_164 = arith.addi %mul3A_2, %add3A_163 : i32
    %dma_wait3A_165 = arith.constant 1 : i32
    %dma_wait3A_166 = arith.constant 0 : i32
    %dma_wait3A_167 = arith.constant 0 : i32
    %dma_wait3A_168 = tpu.memref_slice %arg7[%dma_wait3A_165, %dma_wait3A_166, %dma_wait3A_167] : memref<2x128x128xi32, #tpu.memory_space<vmem>> -> memref<1x128x128xi32, #tpu.memory_space<vmem>>
    %dma_wait3A_169 = tpu.memref_squeeze %dma_wait3A_168 : memref<1x128x128xi32, #tpu.memory_space<vmem>> -> memref<128x128xi32, #tpu.memory_space<vmem>>
    %dma_wait3A_170 = arith.constant 0 : i32
    %dma_wait3A_171 = tpu.memref_slice %arg4[%add3A_164, %dma_wait3A_170] : memref<8192x128xi32, #tpu.memory_space<hbm>> -> memref<128x128xi32, #tpu.memory_space<hbm>>
    %dma_wait3A_172 = arith.constant 0 : i32
    %dma_wait3A_173 = tpu.memref_slice %arg4[%add3A_164, %dma_wait3A_172] : memref<8192x128xi32, #tpu.memory_space<hbm>> -> memref<128x128xi32, #tpu.memory_space<hbm>>
    %dma_wait3A_174 = arith.constant 0 : i32
    %dma_wait3A_175 = arith.constant 0 : i32
    %dma_wait3A_176 = tpu.memref_slice %arg7[%dma_wait3A_165, %dma_wait3A_174, %dma_wait3A_175] : memref<2x128x128xi32, #tpu.memory_space<vmem>> -> memref<1x128x128xi32, #tpu.memory_space<vmem>>
    %dma_wait3A_177 = tpu.memref_squeeze %dma_wait3A_176 : memref<1x128x128xi32, #tpu.memory_space<vmem>> -> memref<128x128xi32, #tpu.memory_space<vmem>>
    tpu.wait_dma2 semaphore(%arg11 : memref<!tpu.dma_semaphore, #tpu.memory_space<semaphore_mem>>) src(%dma_wait3A_177 : memref<128x128xi32, #tpu.memory_space<vmem>>) dst(%dma_wait3A_173 : memref<128x128xi32, #tpu.memory_space<hbm>>)
    return
  }
}

#map = affine_map<(d0, d1) -> (0, 0)>
module attributes {stable_mosaic.version = 14 : i64} {
  func.func @_gather_body(%arg0: i32, %arg1: i32, %arg2: memref<8192x128xi32, #tpu.memory_space<hbm>>, %arg3: memref<8192x128xi32, #tpu.memory_space<hbm>>, %arg4: memref<8192x128xi32, #tpu.memory_space<hbm>>, %arg5: memref<2x128x128xi32, #tpu.memory_space<vmem>>, %arg6: memref<2x128x128xi32, #tpu.memory_space<vmem>>, %arg7: memref<2x128x128xi32, #tpu.memory_space<vmem>>, %arg8: memref<!tpu.dma_semaphore, #tpu.memory_space<semaphore_mem>>, %arg9: memref<!tpu.dma_semaphore, #tpu.memory_space<semaphore_mem>>, %arg10: memref<!tpu.dma_semaphore, #tpu.memory_space<semaphore_mem>>, %arg11: memref<!tpu.dma_semaphore, #tpu.memory_space<semaphore_mem>>) attributes {dimension_semantics = [#tpu.dimension_semantics<core_parallel>, #tpu.dimension_semantics<subcore_parallel>], iteration_bounds = array<i64: 2, 16>, scalar_prefetch = 0 : i64, scratch_operands = 7 : i64, tpu.core_type = #tpu.core_type<sc_vector_subcore>, window_params = [{transform_indices = #map}, {transform_indices = #map}, {transform_indices = #map}]} {
    %mul3A = arith.constant 2 : i32
    %mul3A_0 = arith.muli %arg1, %mul3A : i32
    %add3A = arith.addi %mul3A_0, %arg0 : i32
    %mul3A_1 = arith.constant 256 : i32
    %mul3A_2 = arith.muli %add3A, %mul3A_1 : i32
    %add3A_3 = arith.constant 0 : i32
    %add3A_4 = arith.addi %mul3A_2, %add3A_3 : i32
    %dma_start3A = arith.constant 0 : i32
    %dma_start3A_5 = arith.constant 0 : i32
    %dma_start3A_6 = arith.constant 0 : i32
    %dma_start3A_7 = tpu.memref_slice %arg5[%dma_start3A, %dma_start3A_5, %dma_start3A_6] : memref<2x128x128xi32, #tpu.memory_space<vmem>> -> memref<1x128x128xi32, #tpu.memory_space<vmem>>
    %dma_start3A_8 = tpu.memref_squeeze %dma_start3A_7 : memref<1x128x128xi32, #tpu.memory_space<vmem>> -> memref<128x128xi32, #tpu.memory_space<vmem>>
    %dma_start3A_9 = arith.constant 0 : i32
    %dma_start3A_10 = tpu.memref_slice %arg2[%add3A_4, %dma_start3A_9] : memref<8192x128xi32, #tpu.memory_space<hbm>> -> memref<128x128xi32, #tpu.memory_space<hbm>>
    %dma_start3A_11 = arith.constant 0 : i32
    %dma_start3A_12 = arith.constant 0 : i32
    %dma_start3A_13 = tpu.memref_slice %arg5[%dma_start3A, %dma_start3A_11, %dma_start3A_12] : memref<2x128x128xi32, #tpu.memory_space<vmem>> -> memref<1x128x128xi32, #tpu.memory_space<vmem>>
    %dma_start3A_14 = tpu.memref_squeeze %dma_start3A_13 : memref<1x128x128xi32, #tpu.memory_space<vmem>> -> memref<128x128xi32, #tpu.memory_space<vmem>>
    %dma_start3A_15 = arith.constant 0 : i32
    %dma_start3A_16 = tpu.memref_slice %arg2[%add3A_4, %dma_start3A_15] : memref<8192x128xi32, #tpu.memory_space<hbm>> -> memref<128x128xi32, #tpu.memory_space<hbm>>
    tpu.enqueue_dma source(%dma_start3A_16 : memref<128x128xi32, #tpu.memory_space<hbm>>) target(%dma_start3A_14 : memref<128x128xi32, #tpu.memory_space<vmem>>) target_semaphore(%arg8 : memref<!tpu.dma_semaphore, #tpu.memory_space<semaphore_mem>>)
    %dma_start3A_17 = arith.constant 0 : i32
    %dma_start3A_18 = arith.constant 0 : i32
    %dma_start3A_19 = arith.constant 0 : i32
    %dma_start3A_20 = tpu.memref_slice %arg6[%dma_start3A_17, %dma_start3A_18, %dma_start3A_19] : memref<2x128x128xi32, #tpu.memory_space<vmem>> -> memref<1x128x128xi32, #tpu.memory_space<vmem>>
    %dma_start3A_21 = tpu.memref_squeeze %dma_start3A_20 : memref<1x128x128xi32, #tpu.memory_space<vmem>> -> memref<128x128xi32, #tpu.memory_space<vmem>>
    %dma_start3A_22 = arith.constant 0 : i32
    %dma_start3A_23 = tpu.memref_slice %arg3[%add3A_4, %dma_start3A_22] : memref<8192x128xi32, #tpu.memory_space<hbm>> -> memref<128x128xi32, #tpu.memory_space<hbm>>
    %dma_start3A_24 = arith.constant 0 : i32
    %dma_start3A_25 = arith.constant 0 : i32
    %dma_start3A_26 = tpu.memref_slice %arg6[%dma_start3A_17, %dma_start3A_24, %dma_start3A_25] : memref<2x128x128xi32, #tpu.memory_space<vmem>> -> memref<1x128x128xi32, #tpu.memory_space<vmem>>
    %dma_start3A_27 = tpu.memref_squeeze %dma_start3A_26 : memref<1x128x128xi32, #tpu.memory_space<vmem>> -> memref<128x128xi32, #tpu.memory_space<vmem>>
    %dma_start3A_28 = arith.constant 0 : i32
    %dma_start3A_29 = tpu.memref_slice %arg3[%add3A_4, %dma_start3A_28] : memref<8192x128xi32, #tpu.memory_space<hbm>> -> memref<128x128xi32, #tpu.memory_space<hbm>>
    tpu.enqueue_dma source(%dma_start3A_29 : memref<128x128xi32, #tpu.memory_space<hbm>>) target(%dma_start3A_27 : memref<128x128xi32, #tpu.memory_space<vmem>>) target_semaphore(%arg8 : memref<!tpu.dma_semaphore, #tpu.memory_space<semaphore_mem>>)
    %add3A_30 = arith.constant 128 : i32
    %add3A_31 = arith.addi %mul3A_2, %add3A_30 : i32
    %dma_start3A_32 = arith.constant 1 : i32
    %dma_start3A_33 = arith.constant 0 : i32
    %dma_start3A_34 = arith.constant 0 : i32
    %dma_start3A_35 = tpu.memref_slice %arg5[%dma_start3A_32, %dma_start3A_33, %dma_start3A_34] : memref<2x128x128xi32, #tpu.memory_space<vmem>> -> memref<1x128x128xi32, #tpu.memory_space<vmem>>
    %dma_start3A_36 = tpu.memref_squeeze %dma_start3A_35 : memref<1x128x128xi32, #tpu.memory_space<vmem>> -> memref<128x128xi32, #tpu.memory_space<vmem>>
    %dma_start3A_37 = arith.constant 0 : i32
    %dma_start3A_38 = tpu.memref_slice %arg2[%add3A_31, %dma_start3A_37] : memref<8192x128xi32, #tpu.memory_space<hbm>> -> memref<128x128xi32, #tpu.memory_space<hbm>>
    %dma_start3A_39 = arith.constant 0 : i32
    %dma_start3A_40 = arith.constant 0 : i32
    %dma_start3A_41 = tpu.memref_slice %arg5[%dma_start3A_32, %dma_start3A_39, %dma_start3A_40] : memref<2x128x128xi32, #tpu.memory_space<vmem>> -> memref<1x128x128xi32, #tpu.memory_space<vmem>>
    %dma_start3A_42 = tpu.memref_squeeze %dma_start3A_41 : memref<1x128x128xi32, #tpu.memory_space<vmem>> -> memref<128x128xi32, #tpu.memory_space<vmem>>
    %dma_start3A_43 = arith.constant 0 : i32
    %dma_start3A_44 = tpu.memref_slice %arg2[%add3A_31, %dma_start3A_43] : memref<8192x128xi32, #tpu.memory_space<hbm>> -> memref<128x128xi32, #tpu.memory_space<hbm>>
    tpu.enqueue_dma source(%dma_start3A_44 : memref<128x128xi32, #tpu.memory_space<hbm>>) target(%dma_start3A_42 : memref<128x128xi32, #tpu.memory_space<vmem>>) target_semaphore(%arg9 : memref<!tpu.dma_semaphore, #tpu.memory_space<semaphore_mem>>)
    %dma_start3A_45 = arith.constant 1 : i32
    %dma_start3A_46 = arith.constant 0 : i32
    %dma_start3A_47 = arith.constant 0 : i32
    %dma_start3A_48 = tpu.memref_slice %arg6[%dma_start3A_45, %dma_start3A_46, %dma_start3A_47] : memref<2x128x128xi32, #tpu.memory_space<vmem>> -> memref<1x128x128xi32, #tpu.memory_space<vmem>>
    %dma_start3A_49 = tpu.memref_squeeze %dma_start3A_48 : memref<1x128x128xi32, #tpu.memory_space<vmem>> -> memref<128x128xi32, #tpu.memory_space<vmem>>
    %dma_start3A_50 = arith.constant 0 : i32
    %dma_start3A_51 = tpu.memref_slice %arg3[%add3A_31, %dma_start3A_50] : memref<8192x128xi32, #tpu.memory_space<hbm>> -> memref<128x128xi32, #tpu.memory_space<hbm>>
    %dma_start3A_52 = arith.constant 0 : i32
    %dma_start3A_53 = arith.constant 0 : i32
    %dma_start3A_54 = tpu.memref_slice %arg6[%dma_start3A_45, %dma_start3A_52, %dma_start3A_53] : memref<2x128x128xi32, #tpu.memory_space<vmem>> -> memref<1x128x128xi32, #tpu.memory_space<vmem>>
    %dma_start3A_55 = tpu.memref_squeeze %dma_start3A_54 : memref<1x128x128xi32, #tpu.memory_space<vmem>> -> memref<128x128xi32, #tpu.memory_space<vmem>>
    %dma_start3A_56 = arith.constant 0 : i32
    %dma_start3A_57 = tpu.memref_slice %arg3[%add3A_31, %dma_start3A_56] : memref<8192x128xi32, #tpu.memory_space<hbm>> -> memref<128x128xi32, #tpu.memory_space<hbm>>
    tpu.enqueue_dma source(%dma_start3A_57 : memref<128x128xi32, #tpu.memory_space<hbm>>) target(%dma_start3A_55 : memref<128x128xi32, #tpu.memory_space<vmem>>) target_semaphore(%arg9 : memref<!tpu.dma_semaphore, #tpu.memory_space<semaphore_mem>>)
    %add3A_58 = arith.constant 0 : i32
    %add3A_59 = arith.addi %mul3A_2, %add3A_58 : i32
    %dma_wait3A = arith.constant 0 : i32
    %dma_wait3A_60 = arith.constant 0 : i32
    %dma_wait3A_61 = arith.constant 0 : i32
    %dma_wait3A_62 = tpu.memref_slice %arg5[%dma_wait3A, %dma_wait3A_60, %dma_wait3A_61] : memref<2x128x128xi32, #tpu.memory_space<vmem>> -> memref<1x128x128xi32, #tpu.memory_space<vmem>>
    %dma_wait3A_63 = tpu.memref_squeeze %dma_wait3A_62 : memref<1x128x128xi32, #tpu.memory_space<vmem>> -> memref<128x128xi32, #tpu.memory_space<vmem>>
    %dma_wait3A_64 = arith.constant 0 : i32
    %dma_wait3A_65 = tpu.memref_slice %arg2[%add3A_59, %dma_wait3A_64] : memref<8192x128xi32, #tpu.memory_space<hbm>> -> memref<128x128xi32, #tpu.memory_space<hbm>>
    %dma_wait3A_66 = arith.constant 0 : i32
    %dma_wait3A_67 = arith.constant 0 : i32
    %dma_wait3A_68 = tpu.memref_slice %arg5[%dma_wait3A, %dma_wait3A_66, %dma_wait3A_67] : memref<2x128x128xi32, #tpu.memory_space<vmem>> -> memref<1x128x128xi32, #tpu.memory_space<vmem>>
    %dma_wait3A_69 = tpu.memref_squeeze %dma_wait3A_68 : memref<1x128x128xi32, #tpu.memory_space<vmem>> -> memref<128x128xi32, #tpu.memory_space<vmem>>
    %dma_wait3A_70 = arith.constant 0 : i32
    %dma_wait3A_71 = tpu.memref_slice %arg2[%add3A_59, %dma_wait3A_70] : memref<8192x128xi32, #tpu.memory_space<hbm>> -> memref<128x128xi32, #tpu.memory_space<hbm>>
    tpu.wait_dma2 semaphore(%arg8 : memref<!tpu.dma_semaphore, #tpu.memory_space<semaphore_mem>>) src(%dma_wait3A_71 : memref<128x128xi32, #tpu.memory_space<hbm>>) dst(%dma_wait3A_69 : memref<128x128xi32, #tpu.memory_space<vmem>>)
    %dma_wait3A_72 = arith.constant 0 : i32
    %dma_wait3A_73 = arith.constant 0 : i32
    %dma_wait3A_74 = arith.constant 0 : i32
    %dma_wait3A_75 = tpu.memref_slice %arg6[%dma_wait3A_72, %dma_wait3A_73, %dma_wait3A_74] : memref<2x128x128xi32, #tpu.memory_space<vmem>> -> memref<1x128x128xi32, #tpu.memory_space<vmem>>
    %dma_wait3A_76 = tpu.memref_squeeze %dma_wait3A_75 : memref<1x128x128xi32, #tpu.memory_space<vmem>> -> memref<128x128xi32, #tpu.memory_space<vmem>>
    %dma_wait3A_77 = arith.constant 0 : i32
    %dma_wait3A_78 = tpu.memref_slice %arg3[%add3A_59, %dma_wait3A_77] : memref<8192x128xi32, #tpu.memory_space<hbm>> -> memref<128x128xi32, #tpu.memory_space<hbm>>
    %dma_wait3A_79 = arith.constant 0 : i32
    %dma_wait3A_80 = arith.constant 0 : i32
    %dma_wait3A_81 = tpu.memref_slice %arg6[%dma_wait3A_72, %dma_wait3A_79, %dma_wait3A_80] : memref<2x128x128xi32, #tpu.memory_space<vmem>> -> memref<1x128x128xi32, #tpu.memory_space<vmem>>
    %dma_wait3A_82 = tpu.memref_squeeze %dma_wait3A_81 : memref<1x128x128xi32, #tpu.memory_space<vmem>> -> memref<128x128xi32, #tpu.memory_space<vmem>>
    %dma_wait3A_83 = arith.constant 0 : i32
    %dma_wait3A_84 = tpu.memref_slice %arg3[%add3A_59, %dma_wait3A_83] : memref<8192x128xi32, #tpu.memory_space<hbm>> -> memref<128x128xi32, #tpu.memory_space<hbm>>
    tpu.wait_dma2 semaphore(%arg8 : memref<!tpu.dma_semaphore, #tpu.memory_space<semaphore_mem>>) src(%dma_wait3A_84 : memref<128x128xi32, #tpu.memory_space<hbm>>) dst(%dma_wait3A_82 : memref<128x128xi32, #tpu.memory_space<vmem>>)
    %parallel_loop3A = arith.constant 0 : i32
    %parallel_loop3A_85 = arith.constant 1024 : i32
    %parallel_loop3A_86 = arith.constant 1 : i32
    scf.for %parallel_loop3A_178 = %parallel_loop3A to %parallel_loop3A_85 step %parallel_loop3A_86  : i32 {
      %parallel_loop3A_179 = arith.constant 3 : i32
      %parallel_loop3A_180 = arith.shrsi %parallel_loop3A_178, %parallel_loop3A_179 : i32
      %parallel_loop3A_181 = arith.constant 7 : i32
      %parallel_loop3A_182 = arith.andi %parallel_loop3A_178, %parallel_loop3A_181 : i32
      %parallel_loop3A_183 = arith.constant 16 : i32
      %parallel_loop3A_184 = arith.muli %parallel_loop3A_182, %parallel_loop3A_183 : i32
      %parallel_loop3A_185 = arith.constant 0 : i32
      %parallel_loop3A_186 = arith.index_cast %parallel_loop3A_185 : i32 to index
      %parallel_loop3A_187 = arith.index_cast %parallel_loop3A_180 : i32 to index
      %parallel_loop3A_188 = arith.index_cast %parallel_loop3A_184 : i32 to index
      %parallel_loop3A_189 = tpu.vector_load %arg5[%parallel_loop3A_186, %parallel_loop3A_187, %parallel_loop3A_188] {strides = array<i32>} : memref<2x128x128xi32, #tpu.memory_space<vmem>>, vector<16xi32>,
      %parallel_loop3A_190 = arith.constant 255 : i32
      %parallel_loop3A_191 = vector.broadcast %parallel_loop3A_190 : i32 to vector<16xi32>
      %parallel_loop3A_192 = arith.andi %parallel_loop3A_189, %parallel_loop3A_191 : vector<16xi32>
      %parallel_loop3A_193 = arith.constant 8 : i32
      %parallel_loop3A_194 = vector.broadcast %parallel_loop3A_193 : i32 to vector<16xi32>
      %parallel_loop3A_195 = arith.shrsi %parallel_loop3A_189, %parallel_loop3A_194 : vector<16xi32>
      %parallel_loop3A_196 = arith.constant 255 : i32
      %parallel_loop3A_197 = vector.broadcast %parallel_loop3A_196 : i32 to vector<16xi32>
      %parallel_loop3A_198 = arith.andi %parallel_loop3A_195, %parallel_loop3A_197 : vector<16xi32>
      %parallel_loop3A_199 = vector.broadcast %parallel_loop3A_180 : i32 to vector<16xi32>
      %parallel_loop3A_200 = arith.constant 127 : i32
      %parallel_loop3A_201 = vector.broadcast %parallel_loop3A_200 : i32 to vector<16xi32>
      %parallel_loop3A_202 = arith.andi %parallel_loop3A_192, %parallel_loop3A_201 : vector<16xi32>
      %parallel_loop3A_203 = arith.constant 0 : i32
      %parallel_loop3A_204 = arith.constant 0 : i32
      %parallel_loop3A_205 = arith.constant 0 : i32
      %parallel_loop3A_206 = tpu.memref_slice %arg6[%parallel_loop3A_203, %parallel_loop3A_204, %parallel_loop3A_205] : memref<2x128x128xi32, #tpu.memory_space<vmem>> -> memref<1x128x128xi32, #tpu.memory_space<vmem>>
      %parallel_loop3A_207 = tpu.memref_squeeze %parallel_loop3A_206 : memref<1x128x128xi32, #tpu.memory_space<vmem>> -> memref<128x128xi32, #tpu.memory_space<vmem>>
      %parallel_loop3A_208 = tpu.vector_load_idx %parallel_loop3A_207[%parallel_loop3A_199, %parallel_loop3A_202] : memref<128x128xi32, #tpu.memory_space<vmem>>[vector<16xi32>, vector<16xi32>], vector<16xi32>,
      %parallel_loop3A_209 = vector.broadcast %parallel_loop3A_180 : i32 to vector<16xi32>
      %parallel_loop3A_210 = arith.constant 127 : i32
      %parallel_loop3A_211 = vector.broadcast %parallel_loop3A_210 : i32 to vector<16xi32>
      %parallel_loop3A_212 = arith.andi %parallel_loop3A_198, %parallel_loop3A_211 : vector<16xi32>
      %parallel_loop3A_213 = arith.constant 0 : i32
      %parallel_loop3A_214 = arith.constant 0 : i32
      %parallel_loop3A_215 = arith.constant 0 : i32
      %parallel_loop3A_216 = tpu.memref_slice %arg6[%parallel_loop3A_213, %parallel_loop3A_214, %parallel_loop3A_215] : memref<2x128x128xi32, #tpu.memory_space<vmem>> -> memref<1x128x128xi32, #tpu.memory_space<vmem>>
      %parallel_loop3A_217 = tpu.memref_squeeze %parallel_loop3A_216 : memref<1x128x128xi32, #tpu.memory_space<vmem>> -> memref<128x128xi32, #tpu.memory_space<vmem>>
      %parallel_loop3A_218 = tpu.vector_load_idx %parallel_loop3A_217[%parallel_loop3A_209, %parallel_loop3A_212] : memref<128x128xi32, #tpu.memory_space<vmem>>[vector<16xi32>, vector<16xi32>], vector<16xi32>,
      %parallel_loop3A_219 = arith.constant 127 : i32
      %parallel_loop3A_220 = vector.broadcast %parallel_loop3A_219 : i32 to vector<16xi32>
      %parallel_loop3A_221 = arith.cmpi sgt, %parallel_loop3A_192, %parallel_loop3A_220 : vector<16xi32>
      %parallel_loop3A_222 = arith.constant 16 : i32
      %parallel_loop3A_223 = vector.broadcast %parallel_loop3A_222 : i32 to vector<16xi32>
      %parallel_loop3A_224 = arith.shrsi %parallel_loop3A_208, %parallel_loop3A_223 : vector<16xi32>
      %parallel_loop3A_225 = arith.constant 65535 : i32
      %parallel_loop3A_226 = vector.broadcast %parallel_loop3A_225 : i32 to vector<16xi32>
      %parallel_loop3A_227 = arith.andi %parallel_loop3A_224, %parallel_loop3A_226 : vector<16xi32>
      %parallel_loop3A_228 = arith.constant 65535 : i32
      %parallel_loop3A_229 = vector.broadcast %parallel_loop3A_228 : i32 to vector<16xi32>
      %parallel_loop3A_230 = arith.andi %parallel_loop3A_208, %parallel_loop3A_229 : vector<16xi32>
      %parallel_loop3A_231 = arith.select %parallel_loop3A_221, %parallel_loop3A_227, %parallel_loop3A_230 : vector<16xi1>, vector<16xi32>
      %parallel_loop3A_232 = arith.constant 127 : i32
      %parallel_loop3A_233 = vector.broadcast %parallel_loop3A_232 : i32 to vector<16xi32>
      %parallel_loop3A_234 = arith.cmpi sgt, %parallel_loop3A_198, %parallel_loop3A_233 : vector<16xi32>
      %parallel_loop3A_235 = arith.constant -65536 : i32
      %parallel_loop3A_236 = vector.broadcast %parallel_loop3A_235 : i32 to vector<16xi32>
      %parallel_loop3A_237 = arith.andi %parallel_loop3A_218, %parallel_loop3A_236 : vector<16xi32>
      %parallel_loop3A_238 = arith.constant 16 : i32
      %parallel_loop3A_239 = vector.broadcast %parallel_loop3A_238 : i32 to vector<16xi32>
      %parallel_loop3A_240 = arith.shli %parallel_loop3A_218, %parallel_loop3A_239 : vector<16xi32>
      %parallel_loop3A_241 = arith.select %parallel_loop3A_234, %parallel_loop3A_237, %parallel_loop3A_240 : vector<16xi1>, vector<16xi32>
      %parallel_loop3A_242 = arith.ori %parallel_loop3A_231, %parallel_loop3A_241 : vector<16xi32>
      %parallel_loop3A_243 = arith.constant 0 : i32
      %parallel_loop3A_244 = arith.index_cast %parallel_loop3A_243 : i32 to index
      %parallel_loop3A_245 = arith.index_cast %parallel_loop3A_180 : i32 to index
      %parallel_loop3A_246 = arith.index_cast %parallel_loop3A_184 : i32 to index
      %parallel_loop3A_247 = tpu.vector_load %arg7[%parallel_loop3A_244, %parallel_loop3A_245, %parallel_loop3A_246] {strides = array<i32>} : memref<2x128x128xi32, #tpu.memory_space<vmem>>, vector<16xi32>,
      tpu.vector_store %arg7[%parallel_loop3A_244, %parallel_loop3A_245, %parallel_loop3A_246], %parallel_loop3A_242 {strides = array<i32>} : memref<2x128x128xi32, #tpu.memory_space<vmem>>, vector<16xi32>,
    } {sc.loop_unroll_factor = 8 : i64, sc.parallel_access}
    %add3A_87 = arith.constant 0 : i32
    %add3A_88 = arith.addi %mul3A_2, %add3A_87 : i32
    %dma_start3A_89 = arith.constant 0 : i32
    %dma_start3A_90 = arith.constant 0 : i32
    %dma_start3A_91 = arith.constant 0 : i32
    %dma_start3A_92 = tpu.memref_slice %arg7[%dma_start3A_89, %dma_start3A_90, %dma_start3A_91] : memref<2x128x128xi32, #tpu.memory_space<vmem>> -> memref<1x128x128xi32, #tpu.memory_space<vmem>>
    %dma_start3A_93 = tpu.memref_squeeze %dma_start3A_92 : memref<1x128x128xi32, #tpu.memory_space<vmem>> -> memref<128x128xi32, #tpu.memory_space<vmem>>
    %dma_start3A_94 = arith.constant 0 : i32
    %dma_start3A_95 = tpu.memref_slice %arg4[%add3A_88, %dma_start3A_94] : memref<8192x128xi32, #tpu.memory_space<hbm>> -> memref<128x128xi32, #tpu.memory_space<hbm>>
    %dma_start3A_96 = arith.constant 0 : i32
    %dma_start3A_97 = tpu.memref_slice %arg4[%add3A_88, %dma_start3A_96] : memref<8192x128xi32, #tpu.memory_space<hbm>> -> memref<128x128xi32, #tpu.memory_space<hbm>>
    %dma_start3A_98 = arith.constant 0 : i32
    %dma_start3A_99 = arith.constant 0 : i32
    %dma_start3A_100 = tpu.memref_slice %arg7[%dma_start3A_89, %dma_start3A_98, %dma_start3A_99] : memref<2x128x128xi32, #tpu.memory_space<vmem>> -> memref<1x128x128xi32, #tpu.memory_space<vmem>>
    %dma_start3A_101 = tpu.memref_squeeze %dma_start3A_100 : memref<1x128x128xi32, #tpu.memory_space<vmem>> -> memref<128x128xi32, #tpu.memory_space<vmem>>
    tpu.enqueue_dma source(%dma_start3A_101 : memref<128x128xi32, #tpu.memory_space<vmem>>) target(%dma_start3A_97 : memref<128x128xi32, #tpu.memory_space<hbm>>) target_semaphore(%arg10 : memref<!tpu.dma_semaphore, #tpu.memory_space<semaphore_mem>>)
    %add3A_102 = arith.constant 128 : i32
    %add3A_103 = arith.addi %mul3A_2, %add3A_102 : i32
    %dma_wait3A_104 = arith.constant 1 : i32
    %dma_wait3A_105 = arith.constant 0 : i32
    %dma_wait3A_106 = arith.constant 0 : i32
    %dma_wait3A_107 = tpu.memref_slice %arg5[%dma_wait3A_104, %dma_wait3A_105, %dma_wait3A_106] : memref<2x128x128xi32, #tpu.memory_space<vmem>> -> memref<1x128x128xi32, #tpu.memory_space<vmem>>
    %dma_wait3A_108 = tpu.memref_squeeze %dma_wait3A_107 : memref<1x128x128xi32, #tpu.memory_space<vmem>> -> memref<128x128xi32, #tpu.memory_space<vmem>>
    %dma_wait3A_109 = arith.constant 0 : i32
    %dma_wait3A_110 = tpu.memref_slice %arg2[%add3A_103, %dma_wait3A_109] : memref<8192x128xi32, #tpu.memory_space<hbm>> -> memref<128x128xi32, #tpu.memory_space<hbm>>
    %dma_wait3A_111 = arith.constant 0 : i32
    %dma_wait3A_112 = arith.constant 0 : i32
    %dma_wait3A_113 = tpu.memref_slice %arg5[%dma_wait3A_104, %dma_wait3A_111, %dma_wait3A_112] : memref<2x128x128xi32, #tpu.memory_space<vmem>> -> memref<1x128x128xi32, #tpu.memory_space<vmem>>
    %dma_wait3A_114 = tpu.memref_squeeze %dma_wait3A_113 : memref<1x128x128xi32, #tpu.memory_space<vmem>> -> memref<128x128xi32, #tpu.memory_space<vmem>>
    %dma_wait3A_115 = arith.constant 0 : i32
    %dma_wait3A_116 = tpu.memref_slice %arg2[%add3A_103, %dma_wait3A_115] : memref<8192x128xi32, #tpu.memory_space<hbm>> -> memref<128x128xi32, #tpu.memory_space<hbm>>
    tpu.wait_dma2 semaphore(%arg9 : memref<!tpu.dma_semaphore, #tpu.memory_space<semaphore_mem>>) src(%dma_wait3A_116 : memref<128x128xi32, #tpu.memory_space<hbm>>) dst(%dma_wait3A_114 : memref<128x128xi32, #tpu.memory_space<vmem>>)
    %dma_wait3A_117 = arith.constant 1 : i32
    %dma_wait3A_118 = arith.constant 0 : i32
    %dma_wait3A_119 = arith.constant 0 : i32
    %dma_wait3A_120 = tpu.memref_slice %arg6[%dma_wait3A_117, %dma_wait3A_118, %dma_wait3A_119] : memref<2x128x128xi32, #tpu.memory_space<vmem>> -> memref<1x128x128xi32, #tpu.memory_space<vmem>>
    %dma_wait3A_121 = tpu.memref_squeeze %dma_wait3A_120 : memref<1x128x128xi32, #tpu.memory_space<vmem>> -> memref<128x128xi32, #tpu.memory_space<vmem>>
    %dma_wait3A_122 = arith.constant 0 : i32
    %dma_wait3A_123 = tpu.memref_slice %arg3[%add3A_103, %dma_wait3A_122] : memref<8192x128xi32, #tpu.memory_space<hbm>> -> memref<128x128xi32, #tpu.memory_space<hbm>>
    %dma_wait3A_124 = arith.constant 0 : i32
    %dma_wait3A_125 = arith.constant 0 : i32
    %dma_wait3A_126 = tpu.memref_slice %arg6[%dma_wait3A_117, %dma_wait3A_124, %dma_wait3A_125] : memref<2x128x128xi32, #tpu.memory_space<vmem>> -> memref<1x128x128xi32, #tpu.memory_space<vmem>>
    %dma_wait3A_127 = tpu.memref_squeeze %dma_wait3A_126 : memref<1x128x128xi32, #tpu.memory_space<vmem>> -> memref<128x128xi32, #tpu.memory_space<vmem>>
    %dma_wait3A_128 = arith.constant 0 : i32
    %dma_wait3A_129 = tpu.memref_slice %arg3[%add3A_103, %dma_wait3A_128] : memref<8192x128xi32, #tpu.memory_space<hbm>> -> memref<128x128xi32, #tpu.memory_space<hbm>>
    tpu.wait_dma2 semaphore(%arg9 : memref<!tpu.dma_semaphore, #tpu.memory_space<semaphore_mem>>) src(%dma_wait3A_129 : memref<128x128xi32, #tpu.memory_space<hbm>>) dst(%dma_wait3A_127 : memref<128x128xi32, #tpu.memory_space<vmem>>)
    %parallel_loop3A_130 = arith.constant 0 : i32
    %parallel_loop3A_131 = arith.constant 1024 : i32
    %parallel_loop3A_132 = arith.constant 1 : i32
    scf.for %parallel_loop3A_178 = %parallel_loop3A_130 to %parallel_loop3A_131 step %parallel_loop3A_132  : i32 {
      %parallel_loop3A_179 = arith.constant 3 : i32
      %parallel_loop3A_180 = arith.shrsi %parallel_loop3A_178, %parallel_loop3A_179 : i32
      %parallel_loop3A_181 = arith.constant 7 : i32
      %parallel_loop3A_182 = arith.andi %parallel_loop3A_178, %parallel_loop3A_181 : i32
      %parallel_loop3A_183 = arith.constant 16 : i32
      %parallel_loop3A_184 = arith.muli %parallel_loop3A_182, %parallel_loop3A_183 : i32
      %parallel_loop3A_185 = arith.constant 1 : i32
      %parallel_loop3A_186 = arith.index_cast %parallel_loop3A_185 : i32 to index
      %parallel_loop3A_187 = arith.index_cast %parallel_loop3A_180 : i32 to index
      %parallel_loop3A_188 = arith.index_cast %parallel_loop3A_184 : i32 to index
      %parallel_loop3A_189 = tpu.vector_load %arg5[%parallel_loop3A_186, %parallel_loop3A_187, %parallel_loop3A_188] {strides = array<i32>} : memref<2x128x128xi32, #tpu.memory_space<vmem>>, vector<16xi32>,
      %parallel_loop3A_190 = arith.constant 255 : i32
      %parallel_loop3A_191 = vector.broadcast %parallel_loop3A_190 : i32 to vector<16xi32>
      %parallel_loop3A_192 = arith.andi %parallel_loop3A_189, %parallel_loop3A_191 : vector<16xi32>
      %parallel_loop3A_193 = arith.constant 8 : i32
      %parallel_loop3A_194 = vector.broadcast %parallel_loop3A_193 : i32 to vector<16xi32>
      %parallel_loop3A_195 = arith.shrsi %parallel_loop3A_189, %parallel_loop3A_194 : vector<16xi32>
      %parallel_loop3A_196 = arith.constant 255 : i32
      %parallel_loop3A_197 = vector.broadcast %parallel_loop3A_196 : i32 to vector<16xi32>
      %parallel_loop3A_198 = arith.andi %parallel_loop3A_195, %parallel_loop3A_197 : vector<16xi32>
      %parallel_loop3A_199 = vector.broadcast %parallel_loop3A_180 : i32 to vector<16xi32>
      %parallel_loop3A_200 = arith.constant 127 : i32
      %parallel_loop3A_201 = vector.broadcast %parallel_loop3A_200 : i32 to vector<16xi32>
      %parallel_loop3A_202 = arith.andi %parallel_loop3A_192, %parallel_loop3A_201 : vector<16xi32>
      %parallel_loop3A_203 = arith.constant 1 : i32
      %parallel_loop3A_204 = arith.constant 0 : i32
      %parallel_loop3A_205 = arith.constant 0 : i32
      %parallel_loop3A_206 = tpu.memref_slice %arg6[%parallel_loop3A_203, %parallel_loop3A_204, %parallel_loop3A_205] : memref<2x128x128xi32, #tpu.memory_space<vmem>> -> memref<1x128x128xi32, #tpu.memory_space<vmem>>
      %parallel_loop3A_207 = tpu.memref_squeeze %parallel_loop3A_206 : memref<1x128x128xi32, #tpu.memory_space<vmem>> -> memref<128x128xi32, #tpu.memory_space<vmem>>
      %parallel_loop3A_208 = tpu.vector_load_idx %parallel_loop3A_207[%parallel_loop3A_199, %parallel_loop3A_202] : memref<128x128xi32, #tpu.memory_space<vmem>>[vector<16xi32>, vector<16xi32>], vector<16xi32>,
      %parallel_loop3A_209 = vector.broadcast %parallel_loop3A_180 : i32 to vector<16xi32>
      %parallel_loop3A_210 = arith.constant 127 : i32
      %parallel_loop3A_211 = vector.broadcast %parallel_loop3A_210 : i32 to vector<16xi32>
      %parallel_loop3A_212 = arith.andi %parallel_loop3A_198, %parallel_loop3A_211 : vector<16xi32>
      %parallel_loop3A_213 = arith.constant 1 : i32
      %parallel_loop3A_214 = arith.constant 0 : i32
      %parallel_loop3A_215 = arith.constant 0 : i32
      %parallel_loop3A_216 = tpu.memref_slice %arg6[%parallel_loop3A_213, %parallel_loop3A_214, %parallel_loop3A_215] : memref<2x128x128xi32, #tpu.memory_space<vmem>> -> memref<1x128x128xi32, #tpu.memory_space<vmem>>
      %parallel_loop3A_217 = tpu.memref_squeeze %parallel_loop3A_216 : memref<1x128x128xi32, #tpu.memory_space<vmem>> -> memref<128x128xi32, #tpu.memory_space<vmem>>
      %parallel_loop3A_218 = tpu.vector_load_idx %parallel_loop3A_217[%parallel_loop3A_209, %parallel_loop3A_212] : memref<128x128xi32, #tpu.memory_space<vmem>>[vector<16xi32>, vector<16xi32>], vector<16xi32>,
      %parallel_loop3A_219 = arith.constant 127 : i32
      %parallel_loop3A_220 = vector.broadcast %parallel_loop3A_219 : i32 to vector<16xi32>
      %parallel_loop3A_221 = arith.cmpi sgt, %parallel_loop3A_192, %parallel_loop3A_220 : vector<16xi32>
      %parallel_loop3A_222 = arith.constant 16 : i32
      %parallel_loop3A_223 = vector.broadcast %parallel_loop3A_222 : i32 to vector<16xi32>
      %parallel_loop3A_224 = arith.shrsi %parallel_loop3A_208, %parallel_loop3A_223 : vector<16xi32>
      %parallel_loop3A_225 = arith.constant 65535 : i32
      %parallel_loop3A_226 = vector.broadcast %parallel_loop3A_225 : i32 to vector<16xi32>
      %parallel_loop3A_227 = arith.andi %parallel_loop3A_224, %parallel_loop3A_226 : vector<16xi32>
      %parallel_loop3A_228 = arith.constant 65535 : i32
      %parallel_loop3A_229 = vector.broadcast %parallel_loop3A_228 : i32 to vector<16xi32>
      %parallel_loop3A_230 = arith.andi %parallel_loop3A_208, %parallel_loop3A_229 : vector<16xi32>
      %parallel_loop3A_231 = arith.select %parallel_loop3A_221, %parallel_loop3A_227, %parallel_loop3A_230 : vector<16xi1>, vector<16xi32>
      %parallel_loop3A_232 = arith.constant 127 : i32
      %parallel_loop3A_233 = vector.broadcast %parallel_loop3A_232 : i32 to vector<16xi32>
      %parallel_loop3A_234 = arith.cmpi sgt, %parallel_loop3A_198, %parallel_loop3A_233 : vector<16xi32>
      %parallel_loop3A_235 = arith.constant -65536 : i32
      %parallel_loop3A_236 = vector.broadcast %parallel_loop3A_235 : i32 to vector<16xi32>
      %parallel_loop3A_237 = arith.andi %parallel_loop3A_218, %parallel_loop3A_236 : vector<16xi32>
      %parallel_loop3A_238 = arith.constant 16 : i32
      %parallel_loop3A_239 = vector.broadcast %parallel_loop3A_238 : i32 to vector<16xi32>
      %parallel_loop3A_240 = arith.shli %parallel_loop3A_218, %parallel_loop3A_239 : vector<16xi32>
      %parallel_loop3A_241 = arith.select %parallel_loop3A_234, %parallel_loop3A_237, %parallel_loop3A_240 : vector<16xi1>, vector<16xi32>
      %parallel_loop3A_242 = arith.ori %parallel_loop3A_231, %parallel_loop3A_241 : vector<16xi32>
      %parallel_loop3A_243 = arith.constant 1 : i32
      %parallel_loop3A_244 = arith.index_cast %parallel_loop3A_243 : i32 to index
      %parallel_loop3A_245 = arith.index_cast %parallel_loop3A_180 : i32 to index
      %parallel_loop3A_246 = arith.index_cast %parallel_loop3A_184 : i32 to index
      %parallel_loop3A_247 = tpu.vector_load %arg7[%parallel_loop3A_244, %parallel_loop3A_245, %parallel_loop3A_246] {strides = array<i32>} : memref<2x128x128xi32, #tpu.memory_space<vmem>>, vector<16xi32>,
      tpu.vector_store %arg7[%parallel_loop3A_244, %parallel_loop3A_245, %parallel_loop3A_246], %parallel_loop3A_242 {strides = array<i32>} : memref<2x128x128xi32, #tpu.memory_space<vmem>>, vector<16xi32>,
    } {sc.loop_unroll_factor = 8 : i64, sc.parallel_access}
    %add3A_133 = arith.constant 128 : i32
    %add3A_134 = arith.addi %mul3A_2, %add3A_133 : i32
    %dma_start3A_135 = arith.constant 1 : i32
    %dma_start3A_136 = arith.constant 0 : i32
    %dma_start3A_137 = arith.constant 0 : i32
    %dma_start3A_138 = tpu.memref_slice %arg7[%dma_start3A_135, %dma_start3A_136, %dma_start3A_137] : memref<2x128x128xi32, #tpu.memory_space<vmem>> -> memref<1x128x128xi32, #tpu.memory_space<vmem>>
    %dma_start3A_139 = tpu.memref_squeeze %dma_start3A_138 : memref<1x128x128xi32, #tpu.memory_space<vmem>> -> memref<128x128xi32, #tpu.memory_space<vmem>>
    %dma_start3A_140 = arith.constant 0 : i32
    %dma_start3A_141 = tpu.memref_slice %arg4[%add3A_134, %dma_start3A_140] : memref<8192x128xi32, #tpu.memory_space<hbm>> -> memref<128x128xi32, #tpu.memory_space<hbm>>
    %dma_start3A_142 = arith.constant 0 : i32
    %dma_start3A_143 = tpu.memref_slice %arg4[%add3A_134, %dma_start3A_142] : memref<8192x128xi32, #tpu.memory_space<hbm>> -> memref<128x128xi32, #tpu.memory_space<hbm>>
    %dma_start3A_144 = arith.constant 0 : i32
    %dma_start3A_145 = arith.constant 0 : i32
    %dma_start3A_146 = tpu.memref_slice %arg7[%dma_start3A_135, %dma_start3A_144, %dma_start3A_145] : memref<2x128x128xi32, #tpu.memory_space<vmem>> -> memref<1x128x128xi32, #tpu.memory_space<vmem>>
    %dma_start3A_147 = tpu.memref_squeeze %dma_start3A_146 : memref<1x128x128xi32, #tpu.memory_space<vmem>> -> memref<128x128xi32, #tpu.memory_space<vmem>>
    tpu.enqueue_dma source(%dma_start3A_147 : memref<128x128xi32, #tpu.memory_space<vmem>>) target(%dma_start3A_143 : memref<128x128xi32, #tpu.memory_space<hbm>>) target_semaphore(%arg11 : memref<!tpu.dma_semaphore, #tpu.memory_space<semaphore_mem>>)
    %add3A_148 = arith.constant 0 : i32
    %add3A_149 = arith.addi %mul3A_2, %add3A_148 : i32
    %dma_wait3A_150 = arith.constant 0 : i32
    %dma_wait3A_151 = arith.constant 0 : i32
    %dma_wait3A_152 = arith.constant 0 : i32
    %dma_wait3A_153 = tpu.memref_slice %arg7[%dma_wait3A_150, %dma_wait3A_151, %dma_wait3A_152] : memref<2x128x128xi32, #tpu.memory_space<vmem>> -> memref<1x128x128xi32, #tpu.memory_space<vmem>>
    %dma_wait3A_154 = tpu.memref_squeeze %dma_wait3A_153 : memref<1x128x128xi32, #tpu.memory_space<vmem>> -> memref<128x128xi32, #tpu.memory_space<vmem>>
    %dma_wait3A_155 = arith.constant 0 : i32
    %dma_wait3A_156 = tpu.memref_slice %arg4[%add3A_149, %dma_wait3A_155] : memref<8192x128xi32, #tpu.memory_space<hbm>> -> memref<128x128xi32, #tpu.memory_space<hbm>>
    %dma_wait3A_157 = arith.constant 0 : i32
    %dma_wait3A_158 = tpu.memref_slice %arg4[%add3A_149, %dma_wait3A_157] : memref<8192x128xi32, #tpu.memory_space<hbm>> -> memref<128x128xi32, #tpu.memory_space<hbm>>
    %dma_wait3A_159 = arith.constant 0 : i32
    %dma_wait3A_160 = arith.constant 0 : i32
    %dma_wait3A_161 = tpu.memref_slice %arg7[%dma_wait3A_150, %dma_wait3A_159, %dma_wait3A_160] : memref<2x128x128xi32, #tpu.memory_space<vmem>> -> memref<1x128x128xi32, #tpu.memory_space<vmem>>
    %dma_wait3A_162 = tpu.memref_squeeze %dma_wait3A_161 : memref<1x128x128xi32, #tpu.memory_space<vmem>> -> memref<128x128xi32, #tpu.memory_space<vmem>>
    tpu.wait_dma2 semaphore(%arg10 : memref<!tpu.dma_semaphore, #tpu.memory_space<semaphore_mem>>) src(%dma_wait3A_162 : memref<128x128xi32, #tpu.memory_space<vmem>>) dst(%dma_wait3A_158 : memref<128x128xi32, #tpu.memory_space<hbm>>)
    %add3A_163 = arith.constant 128 : i32
    %add3A_164 = arith.addi %mul3A_2, %add3A_163 : i32
    %dma_wait3A_165 = arith.constant 1 : i32
    %dma_wait3A_166 = arith.constant 0 : i32
    %dma_wait3A_167 = arith.constant 0 : i32
    %dma_wait3A_168 = tpu.memref_slice %arg7[%dma_wait3A_165, %dma_wait3A_166, %dma_wait3A_167] : memref<2x128x128xi32, #tpu.memory_space<vmem>> -> memref<1x128x128xi32, #tpu.memory_space<vmem>>
    %dma_wait3A_169 = tpu.memref_squeeze %dma_wait3A_168 : memref<1x128x128xi32, #tpu.memory_space<vmem>> -> memref<128x128xi32, #tpu.memory_space<vmem>>
    %dma_wait3A_170 = arith.constant 0 : i32
    %dma_wait3A_171 = tpu.memref_slice %arg4[%add3A_164, %dma_wait3A_170] : memref<8192x128xi32, #tpu.memory_space<hbm>> -> memref<128x128xi32, #tpu.memory_space<hbm>>
    %dma_wait3A_172 = arith.constant 0 : i32
    %dma_wait3A_173 = tpu.memref_slice %arg4[%add3A_164, %dma_wait3A_172] : memref<8192x128xi32, #tpu.memory_space<hbm>> -> memref<128x128xi32, #tpu.memory_space<hbm>>
    %dma_wait3A_174 = arith.constant 0 : i32
    %dma_wait3A_175 = arith.constant 0 : i32
    %dma_wait3A_176 = tpu.memref_slice %arg7[%dma_wait3A_165, %dma_wait3A_174, %dma_wait3A_175] : memref<2x128x128xi32, #tpu.memory_space<vmem>> -> memref<1x128x128xi32, #tpu.memory_space<vmem>>
    %dma_wait3A_177 = tpu.memref_squeeze %dma_wait3A_176 : memref<1x128x128xi32, #tpu.memory_space<vmem>> -> memref<128x128xi32, #tpu.memory_space<vmem>>
    tpu.wait_dma2 semaphore(%arg11 : memref<!tpu.dma_semaphore, #tpu.memory_space<semaphore_mem>>) src(%dma_wait3A_177 : memref<128x128xi32, #tpu.memory_space<vmem>>) dst(%dma_wait3A_173 : memref<128x128xi32, #tpu.memory_space<hbm>>)
    return
  }
}

module attributes {stable_mosaic.version = 14 : i64} {
  func.func @_pre_body(%arg0: i32, %arg1: memref<8x2048xf32, #tpu.memory_space<vmem>>, %arg2: memref<8x256xf32, #tpu.memory_space<vmem>>, %arg3: memref<200x2048xf32, #tpu.memory_space<vmem>>, %arg4: memref<2048x128xi32, #tpu.memory_space<vmem>>, %arg5: memref<2048x128xi32, #tpu.memory_space<vmem>>) attributes {dimension_semantics = [#tpu.dimension_semantics<arbitrary>], iteration_bounds = array<i64: 4>, scalar_prefetch = 0 : i64, scratch_operands = 0 : i64, tpu.core_type = #tpu.core_type<tc>, window_params = [{transform_indices = @transform_0, window_bounds = array<i64: 8, 2048>}, {pipeline_mode = #tpu.pipeline_mode<synchronous>, transform_indices = @transform_1, window_bounds = array<i64: 8, 256>}, {transform_indices = @transform_2, window_bounds = array<i64: 200, 2048>}, {transform_indices = @transform_3, window_bounds = array<i64: 2048, 128>}, {transform_indices = @transform_4, window_bounds = array<i64: 2048, 128>}]} {
    %get3A = arith.constant 0 : index
    %get3A_0 = arith.constant 0 : index
    %get3A_1 = vector.load %arg3[%get3A, %get3A_0] : memref<200x2048xf32, #tpu.memory_space<vmem>>, vector<200x2048xf32>
    %add3A = arith.constant 1.000000e+00 : f32
    %add3A_2 = vector.broadcast %add3A : f32 to vector<200x2048xf32>
    %add3A_3 = arith.addf %get3A_1, %add3A_2 : vector<200x2048xf32>
    %mul3A = arith.constant 1.275000e+02 : f32
    %mul3A_4 = vector.broadcast %mul3A : f32 to vector<200x2048xf32>
    %mul3A_5 = arith.mulf %add3A_3, %mul3A_4 : vector<200x2048xf32>
    %convert_element_type3A = arith.fptosi %mul3A_5 : vector<200x2048xf32> to vector<200x2048xi32>
    %jit3A = arith.constant 0 : i32
    %jit3A_6 = arith.constant 255 : i32
    %max3A = vector.broadcast %jit3A : i32 to vector<200x2048xi32>
    %max3A_7 = arith.maxsi %max3A, %convert_element_type3A : vector<200x2048xi32>
    %min3A = vector.broadcast %jit3A_6 : i32 to vector<200x2048xi32>
    %min3A_8 = arith.minsi %min3A, %max3A_7 : vector<200x2048xi32>
    %slice3A = vector.extract_strided_slice %min3A_8 {offsets = [128, 0], sizes = [72, 2048], strides = [1, 1]} : vector<200x2048xi32> to vector<72x2048xi32>
    %broadcast_in_dim3A = arith.constant 0 : i32
    %broadcast_in_dim3A_9 = vector.broadcast %broadcast_in_dim3A : i32 to vector<56x2048xi32>
    %concatenate3A = tpu.concatenate %slice3A, %broadcast_in_dim3A_9 in 0 : vector<72x2048xi32>, vector<56x2048xi32> -> vector<128x2048xi32>
    %slice3A_10 = vector.extract_strided_slice %min3A_8 {offsets = [0, 0], sizes = [128, 2048], strides = [1, 1]} : vector<200x2048xi32> to vector<128x2048xi32>
    %shift_left3A = arith.constant 8 : i32
    %shift_left3A_11 = vector.broadcast %shift_left3A : i32 to vector<128x2048xi32>
    %shift_left3A_12 = arith.shli %concatenate3A, %shift_left3A_11 : vector<128x2048xi32>
    %or3A = arith.ori %slice3A_10, %shift_left3A_12 : vector<128x2048xi32>
    %transpose3A = tpu.transpose %or3A, [1, 0] : vector<128x2048xi32> -> vector<2048x128xi32>
    %swap3A = arith.constant 0 : index
    %swap3A_13 = arith.constant 0 : index
    %swap3A_14 = vector.load %arg4[%swap3A, %swap3A_13] : memref<2048x128xi32, #tpu.memory_space<vmem>>, vector<2048x128xi32>
    tpu.vector_store %arg4[%swap3A, %swap3A_13], %transpose3A {strides = array<i32>} : memref<2048x128xi32, #tpu.memory_space<vmem>>, vector<2048x128xi32>,
    %get3A_15 = arith.constant 0 : index
    %get3A_16 = arith.constant 0 : index
    %get3A_17 = vector.load %arg1[%get3A_15, %get3A_16] : memref<8x2048xf32, #tpu.memory_space<vmem>>, vector<8x2048xf32>
    %get3A_18 = arith.constant 0 : index
    %get3A_19 = arith.constant 0 : index
    %get3A_20 = vector.load %arg2[%get3A_18, %get3A_19] : memref<8x256xf32, #tpu.memory_space<vmem>>, vector<8x256xf32>
    %slice3A_21 = vector.extract_strided_slice %get3A_20 {offsets = [0, 0], sizes = [8, 128], strides = [1, 1]} : vector<8x256xf32> to vector<8x128xf32>
    %dot_general3A = arith.constant dense<0.000000e+00> : vector<2048x128xf32>
    %dot_general3A_22 = tpu.matmul %get3A_17, %slice3A_21, %dot_general3A {dimension_numbers = #tpu.dot_dimension_numbers<[0], [0], [1], [1], [0, 1, 1, 1], [], []>, transpose_lhs_hint = false} : vector<8x2048xf32>, vector<8x128xf32>, vector<2048x128xf32> -> vector<2048x128xf32>
    %slice3A_23 = vector.extract_strided_slice %get3A_20 {offsets = [0, 128], sizes = [8, 128], strides = [1, 1]} : vector<8x256xf32> to vector<8x128xf32>
    %dot_general3A_24 = arith.constant dense<0.000000e+00> : vector<2048x128xf32>
    %dot_general3A_25 = tpu.matmul %get3A_17, %slice3A_23, %dot_general3A_24 {dimension_numbers = #tpu.dot_dimension_numbers<[0], [0], [1], [1], [0, 1, 1, 1], [], []>, transpose_lhs_hint = false} : vector<8x2048xf32>, vector<8x128xf32>, vector<2048x128xf32> -> vector<2048x128xf32>
    %convert_element_type3A_26 = arith.truncf %dot_general3A_22 : vector<2048x128xf32> to vector<2048x128xbf16>
    %bitcast_convert_type3A = tpu.bitcast %convert_element_type3A_26 : vector<2048x128xbf16> -> vector<2048x128xi16>
    %convert_element_type3A_27 = arith.extui %bitcast_convert_type3A : vector<2048x128xi16> to vector<2048x128xi32>
    %convert_element_type3A_28 = arith.truncf %dot_general3A_25 : vector<2048x128xf32> to vector<2048x128xbf16>
    %bitcast_convert_type3A_29 = tpu.bitcast %convert_element_type3A_28 : vector<2048x128xbf16> -> vector<2048x128xi16>
    %convert_element_type3A_30 = arith.extui %bitcast_convert_type3A_29 : vector<2048x128xi16> to vector<2048x128xi32>
    %shift_left3A_31 = arith.constant 16 : i32
    %shift_left3A_32 = vector.broadcast %shift_left3A_31 : i32 to vector<2048x128xi32>
    %shift_left3A_33 = arith.shli %convert_element_type3A_30, %shift_left3A_32 : vector<2048x128xi32>
    %or3A_34 = arith.ori %convert_element_type3A_27, %shift_left3A_33 : vector<2048x128xi32>
    %swap3A_35 = arith.constant 0 : index
    %swap3A_36 = arith.constant 0 : index
    %swap3A_37 = vector.load %arg5[%swap3A_35, %swap3A_36] : memref<2048x128xi32, #tpu.memory_space<vmem>>, vector<2048x128xi32>
    tpu.vector_store %arg5[%swap3A_35, %swap3A_36], %or3A_34 {strides = array<i32>} : memref<2048x128xi32, #tpu.memory_space<vmem>>, vector<2048x128xi32>,
    return
  }
  func.func @transform_0(%arg0: i32) -> (i32, i32) {
    %add3A = arith.constant 4 : i32
    %add3A_0 = arith.addi %arg0, %add3A : i32
    %c0_i32 = arith.constant 0 : i32
    %c0_i32_1 = arith.constant 0 : i32
    return %c0_i32, %add3A_0 : i32, i32
  }
  func.func @transform_1(%arg0: i32) -> (i32, i32) {
    %c0_i32 = arith.constant 0 : i32
    %c0_i32_0 = arith.constant 0 : i32
    %c0_i32_1 = arith.constant 0 : i32
    return %c0_i32, %c0_i32_0 : i32, i32
  }
  func.func @transform_2(%arg0: i32) -> (i32, i32) {
    %add3A = arith.constant 4 : i32
    %add3A_0 = arith.addi %arg0, %add3A : i32
    %c0_i32 = arith.constant 0 : i32
    %c0_i32_1 = arith.constant 0 : i32
    return %c0_i32, %add3A_0 : i32, i32
  }
  func.func @transform_3(%arg0: i32) -> (i32, i32) {
    %c0_i32 = arith.constant 0 : i32
    %c0_i32_0 = arith.constant 0 : i32
    return %arg0, %c0_i32 : i32, i32
  }
  func.func @transform_4(%arg0: i32) -> (i32, i32) {
    %c0_i32 = arith.constant 0 : i32
    %c0_i32_0 = arith.constant 0 : i32
    return %arg0, %c0_i32 : i32, i32
  }
}

module attributes {stable_mosaic.version = 14 : i64} {
  func.func @_post1_body(%arg0: i32, %arg1: memref<200x16384xf32, #tpu.memory_space<any>>, %arg2: memref<2048x128xi32, #tpu.memory_space<vmem>>, %arg3: memref<200x2048xf32, #tpu.memory_space<vmem>>) attributes {dimension_semantics = [#tpu.dimension_semantics<arbitrary>], iteration_bounds = array<i64: 4>, scalar_prefetch = 0 : i64, scratch_operands = 0 : i64, tpu.core_type = #tpu.core_type<tc>, window_params = [{}, {transform_indices = @transform_1, window_bounds = array<i64: 2048, 128>}, {transform_indices = @transform_2, window_bounds = array<i64: 200, 2048>}]} {
    %get3A = arith.constant 0 : index
    %get3A_0 = arith.constant 0 : index
    %get3A_1 = vector.load %arg2[%get3A, %get3A_0] : memref<2048x128xi32, #tpu.memory_space<vmem>>, vector<2048x128xi32>
    %shift_left3A = arith.constant 16 : i32
    %shift_left3A_2 = vector.broadcast %shift_left3A : i32 to vector<2048x128xi32>
    %shift_left3A_3 = arith.shli %get3A_1, %shift_left3A_2 : vector<2048x128xi32>
    %bitcast_convert_type3A = tpu.bitcast %shift_left3A_3 : vector<2048x128xi32> -> vector<2048x128xf32>
    %and3A = arith.constant -65536 : i32
    %and3A_4 = vector.broadcast %and3A : i32 to vector<2048x128xi32>
    %and3A_5 = arith.andi %get3A_1, %and3A_4 : vector<2048x128xi32>
    %bitcast_convert_type3A_6 = tpu.bitcast %and3A_5 : vector<2048x128xi32> -> vector<2048x128xf32>
    %transpose3A = tpu.transpose %bitcast_convert_type3A, [1, 0] : vector<2048x128xf32> -> vector<128x2048xf32>
    %swap3A = arith.constant 0 : index
    %swap3A_7 = arith.constant 0 : index
    %swap3A_8 = vector.load %arg3[%swap3A, %swap3A_7] : memref<200x2048xf32, #tpu.memory_space<vmem>>, vector<128x2048xf32>
    tpu.vector_store %arg3[%swap3A, %swap3A_7], %transpose3A {strides = array<i32>} : memref<200x2048xf32, #tpu.memory_space<vmem>>, vector<128x2048xf32>,
    %transpose3A_9 = tpu.transpose %bitcast_convert_type3A_6, [1, 0] : vector<2048x128xf32> -> vector<128x2048xf32>
    %slice3A = vector.extract_strided_slice %transpose3A_9 {offsets = [0, 0], sizes = [72, 2048], strides = [1, 1]} : vector<128x2048xf32> to vector<72x2048xf32>
    %swap3A_10 = arith.constant 128 : index
    %swap3A_11 = arith.constant 0 : index
    %swap3A_12 = vector.load %arg3[%swap3A_10, %swap3A_11] : memref<200x2048xf32, #tpu.memory_space<vmem>>, vector<72x2048xf32>
    tpu.vector_store %arg3[%swap3A_10, %swap3A_11], %slice3A {strides = array<i32>} : memref<200x2048xf32, #tpu.memory_space<vmem>>, vector<72x2048xf32>,
    return
  }
  func.func @transform_1(%arg0: i32) -> (i32, i32) {
    %c0_i32 = arith.constant 0 : i32
    %c0_i32_0 = arith.constant 0 : i32
    return %arg0, %c0_i32 : i32, i32
  }
  func.func @transform_2(%arg0: i32) -> (i32, i32) {
    %add3A = arith.constant 4 : i32
    %add3A_0 = arith.addi %arg0, %add3A : i32
    %c0_i32 = arith.constant 0 : i32
    %c0_i32_1 = arith.constant 0 : i32
    return %c0_i32, %add3A_0 : i32, i32
  }
}

module attributes {stable_mosaic.version = 14 : i64} {
  func.func @_post0_body(%arg0: i32, %arg1: memref<2048x128xi32, #tpu.memory_space<vmem>>, %arg2: memref<200x2048xf32, #tpu.memory_space<vmem>>) attributes {dimension_semantics = [#tpu.dimension_semantics<arbitrary>], iteration_bounds = array<i64: 4>, scalar_prefetch = 0 : i64, scratch_operands = 0 : i64, tpu.core_type = #tpu.core_type<tc>, window_params = [{transform_indices = @transform_0, window_bounds = array<i64: 2048, 128>}, {transform_indices = @transform_1, window_bounds = array<i64: 200, 2048>}]} {
    %get3A = arith.constant 0 : index
    %get3A_0 = arith.constant 0 : index
    %get3A_1 = vector.load %arg1[%get3A, %get3A_0] : memref<2048x128xi32, #tpu.memory_space<vmem>>, vector<2048x128xi32>
    %shift_left3A = arith.constant 16 : i32
    %shift_left3A_2 = vector.broadcast %shift_left3A : i32 to vector<2048x128xi32>
    %shift_left3A_3 = arith.shli %get3A_1, %shift_left3A_2 : vector<2048x128xi32>
    %bitcast_convert_type3A = tpu.bitcast %shift_left3A_3 : vector<2048x128xi32> -> vector<2048x128xf32>
    %and3A = arith.constant -65536 : i32
    %and3A_4 = vector.broadcast %and3A : i32 to vector<2048x128xi32>
    %and3A_5 = arith.andi %get3A_1, %and3A_4 : vector<2048x128xi32>
    %bitcast_convert_type3A_6 = tpu.bitcast %and3A_5 : vector<2048x128xi32> -> vector<2048x128xf32>
    %transpose3A = tpu.transpose %bitcast_convert_type3A, [1, 0] : vector<2048x128xf32> -> vector<128x2048xf32>
    %swap3A = arith.constant 0 : index
    %swap3A_7 = arith.constant 0 : index
    %swap3A_8 = vector.load %arg2[%swap3A, %swap3A_7] : memref<200x2048xf32, #tpu.memory_space<vmem>>, vector<128x2048xf32>
    tpu.vector_store %arg2[%swap3A, %swap3A_7], %transpose3A {strides = array<i32>} : memref<200x2048xf32, #tpu.memory_space<vmem>>, vector<128x2048xf32>,
    %transpose3A_9 = tpu.transpose %bitcast_convert_type3A_6, [1, 0] : vector<2048x128xf32> -> vector<128x2048xf32>
    %slice3A = vector.extract_strided_slice %transpose3A_9 {offsets = [0, 0], sizes = [72, 2048], strides = [1, 1]} : vector<128x2048xf32> to vector<72x2048xf32>
    %swap3A_10 = arith.constant 128 : index
    %swap3A_11 = arith.constant 0 : index
    %swap3A_12 = vector.load %arg2[%swap3A_10, %swap3A_11] : memref<200x2048xf32, #tpu.memory_space<vmem>>, vector<72x2048xf32>
    tpu.vector_store %arg2[%swap3A_10, %swap3A_11], %slice3A {strides = array<i32>} : memref<200x2048xf32, #tpu.memory_space<vmem>>, vector<72x2048xf32>,
    return
  }
  func.func @transform_0(%arg0: i32) -> (i32, i32) {
    %c0_i32 = arith.constant 0 : i32
    %c0_i32_0 = arith.constant 0 : i32
    return %arg0, %c0_i32 : i32, i32
  }
  func.func @transform_1(%arg0: i32) -> (i32, i32) {
    %c0_i32 = arith.constant 0 : i32
    %c0_i32_0 = arith.constant 0 : i32
    return %c0_i32, %arg0 : i32, i32
  }
}

module attributes {stable_mosaic.version = 14 : i64} {
  func.func @_pre_body(%arg0: i32, %arg1: memref<8x2048xf32, #tpu.memory_space<vmem>>, %arg2: memref<8x256xf32, #tpu.memory_space<vmem>>, %arg3: memref<200x2048xf32, #tpu.memory_space<vmem>>, %arg4: memref<2048x128xi32, #tpu.memory_space<vmem>>, %arg5: memref<2048x128xi32, #tpu.memory_space<vmem>>) attributes {dimension_semantics = [#tpu.dimension_semantics<arbitrary>], iteration_bounds = array<i64: 4>, scalar_prefetch = 0 : i64, scratch_operands = 0 : i64, tpu.core_type = #tpu.core_type<tc>, window_params = [{transform_indices = @transform_0, window_bounds = array<i64: 8, 2048>}, {pipeline_mode = #tpu.pipeline_mode<synchronous>, transform_indices = @transform_1, window_bounds = array<i64: 8, 256>}, {transform_indices = @transform_2, window_bounds = array<i64: 200, 2048>}, {transform_indices = @transform_3, window_bounds = array<i64: 2048, 128>}, {transform_indices = @transform_4, window_bounds = array<i64: 2048, 128>}]} {
    %get3A = arith.constant 0 : index
    %get3A_0 = arith.constant 0 : index
    %get3A_1 = vector.load %arg3[%get3A, %get3A_0] : memref<200x2048xf32, #tpu.memory_space<vmem>>, vector<200x2048xf32>
    %add3A = arith.constant 1.000000e+00 : f32
    %add3A_2 = vector.broadcast %add3A : f32 to vector<200x2048xf32>
    %add3A_3 = arith.addf %get3A_1, %add3A_2 : vector<200x2048xf32>
    %mul3A = arith.constant 1.275000e+02 : f32
    %mul3A_4 = vector.broadcast %mul3A : f32 to vector<200x2048xf32>
    %mul3A_5 = arith.mulf %add3A_3, %mul3A_4 : vector<200x2048xf32>
    %convert_element_type3A = arith.fptosi %mul3A_5 : vector<200x2048xf32> to vector<200x2048xi32>
    %jit3A = arith.constant 0 : i32
    %jit3A_6 = arith.constant 255 : i32
    %max3A = vector.broadcast %jit3A : i32 to vector<200x2048xi32>
    %max3A_7 = arith.maxsi %max3A, %convert_element_type3A : vector<200x2048xi32>
    %min3A = vector.broadcast %jit3A_6 : i32 to vector<200x2048xi32>
    %min3A_8 = arith.minsi %min3A, %max3A_7 : vector<200x2048xi32>
    %slice3A = vector.extract_strided_slice %min3A_8 {offsets = [128, 0], sizes = [72, 2048], strides = [1, 1]} : vector<200x2048xi32> to vector<72x2048xi32>
    %broadcast_in_dim3A = arith.constant 0 : i32
    %broadcast_in_dim3A_9 = vector.broadcast %broadcast_in_dim3A : i32 to vector<56x2048xi32>
    %concatenate3A = tpu.concatenate %slice3A, %broadcast_in_dim3A_9 in 0 : vector<72x2048xi32>, vector<56x2048xi32> -> vector<128x2048xi32>
    %slice3A_10 = vector.extract_strided_slice %min3A_8 {offsets = [0, 0], sizes = [128, 2048], strides = [1, 1]} : vector<200x2048xi32> to vector<128x2048xi32>
    %shift_left3A = arith.constant 8 : i32
    %shift_left3A_11 = vector.broadcast %shift_left3A : i32 to vector<128x2048xi32>
    %shift_left3A_12 = arith.shli %concatenate3A, %shift_left3A_11 : vector<128x2048xi32>
    %or3A = arith.ori %slice3A_10, %shift_left3A_12 : vector<128x2048xi32>
    %transpose3A = tpu.transpose %or3A, [1, 0] : vector<128x2048xi32> -> vector<2048x128xi32>
    %swap3A = arith.constant 0 : index
    %swap3A_13 = arith.constant 0 : index
    %swap3A_14 = vector.load %arg4[%swap3A, %swap3A_13] : memref<2048x128xi32, #tpu.memory_space<vmem>>, vector<2048x128xi32>
    tpu.vector_store %arg4[%swap3A, %swap3A_13], %transpose3A {strides = array<i32>} : memref<2048x128xi32, #tpu.memory_space<vmem>>, vector<2048x128xi32>,
    %get3A_15 = arith.constant 0 : index
    %get3A_16 = arith.constant 0 : index
    %get3A_17 = vector.load %arg1[%get3A_15, %get3A_16] : memref<8x2048xf32, #tpu.memory_space<vmem>>, vector<8x2048xf32>
    %get3A_18 = arith.constant 0 : index
    %get3A_19 = arith.constant 0 : index
    %get3A_20 = vector.load %arg2[%get3A_18, %get3A_19] : memref<8x256xf32, #tpu.memory_space<vmem>>, vector<8x256xf32>
    %slice3A_21 = vector.extract_strided_slice %get3A_20 {offsets = [0, 0], sizes = [8, 128], strides = [1, 1]} : vector<8x256xf32> to vector<8x128xf32>
    %dot_general3A = arith.constant dense<0.000000e+00> : vector<2048x128xf32>
    %dot_general3A_22 = tpu.matmul %get3A_17, %slice3A_21, %dot_general3A {dimension_numbers = #tpu.dot_dimension_numbers<[0], [0], [1], [1], [0, 1, 1, 1], [], []>, transpose_lhs_hint = false} : vector<8x2048xf32>, vector<8x128xf32>, vector<2048x128xf32> -> vector<2048x128xf32>
    %slice3A_23 = vector.extract_strided_slice %get3A_20 {offsets = [0, 128], sizes = [8, 128], strides = [1, 1]} : vector<8x256xf32> to vector<8x128xf32>
    %dot_general3A_24 = arith.constant dense<0.000000e+00> : vector<2048x128xf32>
    %dot_general3A_25 = tpu.matmul %get3A_17, %slice3A_23, %dot_general3A_24 {dimension_numbers = #tpu.dot_dimension_numbers<[0], [0], [1], [1], [0, 1, 1, 1], [], []>, transpose_lhs_hint = false} : vector<8x2048xf32>, vector<8x128xf32>, vector<2048x128xf32> -> vector<2048x128xf32>
    %convert_element_type3A_26 = arith.truncf %dot_general3A_22 : vector<2048x128xf32> to vector<2048x128xbf16>
    %bitcast_convert_type3A = tpu.bitcast %convert_element_type3A_26 : vector<2048x128xbf16> -> vector<2048x128xi16>
    %convert_element_type3A_27 = arith.extui %bitcast_convert_type3A : vector<2048x128xi16> to vector<2048x128xi32>
    %convert_element_type3A_28 = arith.truncf %dot_general3A_25 : vector<2048x128xf32> to vector<2048x128xbf16>
    %bitcast_convert_type3A_29 = tpu.bitcast %convert_element_type3A_28 : vector<2048x128xbf16> -> vector<2048x128xi16>
    %convert_element_type3A_30 = arith.extui %bitcast_convert_type3A_29 : vector<2048x128xi16> to vector<2048x128xi32>
    %shift_left3A_31 = arith.constant 16 : i32
    %shift_left3A_32 = vector.broadcast %shift_left3A_31 : i32 to vector<2048x128xi32>
    %shift_left3A_33 = arith.shli %convert_element_type3A_30, %shift_left3A_32 : vector<2048x128xi32>
    %or3A_34 = arith.ori %convert_element_type3A_27, %shift_left3A_33 : vector<2048x128xi32>
    %swap3A_35 = arith.constant 0 : index
    %swap3A_36 = arith.constant 0 : index
    %swap3A_37 = vector.load %arg5[%swap3A_35, %swap3A_36] : memref<2048x128xi32, #tpu.memory_space<vmem>>, vector<2048x128xi32>
    tpu.vector_store %arg5[%swap3A_35, %swap3A_36], %or3A_34 {strides = array<i32>} : memref<2048x128xi32, #tpu.memory_space<vmem>>, vector<2048x128xi32>,
    return
  }
  func.func @transform_0(%arg0: i32) -> (i32, i32) {
    %add3A = arith.constant 0 : i32
    %add3A_0 = arith.addi %arg0, %add3A : i32
    %c0_i32 = arith.constant 0 : i32
    %c0_i32_1 = arith.constant 0 : i32
    return %c0_i32, %add3A_0 : i32, i32
  }
  func.func @transform_1(%arg0: i32) -> (i32, i32) {
    %c0_i32 = arith.constant 0 : i32
    %c0_i32_0 = arith.constant 0 : i32
    %c0_i32_1 = arith.constant 0 : i32
    return %c0_i32, %c0_i32_0 : i32, i32
  }
  func.func @transform_2(%arg0: i32) -> (i32, i32) {
    %add3A = arith.constant 0 : i32
    %add3A_0 = arith.addi %arg0, %add3A : i32
    %c0_i32 = arith.constant 0 : i32
    %c0_i32_1 = arith.constant 0 : i32
    return %c0_i32, %add3A_0 : i32, i32
  }
  func.func @transform_3(%arg0: i32) -> (i32, i32) {
    %c0_i32 = arith.constant 0 : i32
    %c0_i32_0 = arith.constant 0 : i32
    return %arg0, %c0_i32 : i32, i32
  }
  func.func @transform_4(%arg0: i32) -> (i32, i32) {
    %c0_i32 = arith.constant 0 : i32
    %c0_i32_0 = arith.constant 0 : i32
    return %arg0, %c0_i32 : i32, i32
  }
}

</mosaic_0001>

<sc_bundles>
// kernel: kernel.11.cloned.1.call-start
scs
__scs_entry_jumppad:
0x0: {  	(pc) =	sbr.rel $0x88, $3  }
0x1: {  	(tag) =	ssettag $0x0;
	lr =	simm.s32 $0x1  }
0x2: {  	[smem:$0x3F9E] =	sst lr;
	_ =	strace $0xD0000000  }
0x3: {  	_ = 	snop  }
0x4: {  	_ = 	snop  }
0x5: {  	_ = 	snop  }
0x6: {  	_ = 	snop  }
0x7: {  	_ = 	snop  }
__scs_overlays_trampoline_lowered:
0x8: {  	[smem:$0x3FAD] =	sst s0  }
0x9: {  	[smem:$0x3FAE] =	sst s1  }
0xa: {  	[smem:$0x3FAF] =	sst s2  }
0xb: {  	[smem:$0x3FB0] =	sst s3  }
0xc: {  	[smem:$0x3FB1] =	sst s4  }
0xd: {  	[smem:$0x3FB2] =	sst s5  }
0xe: {  	[smem:$0x3FB3] =	sst s6  }
0xf: {  	[smem:$0x3FB4] =	sst s7  }
0x10: {  	[smem:$0x3FB5] =	sst s8  }
0x11: {  	[smem:$0x3FB6] =	sst s9;
	s0 =	simm.s32 @!p0 $0x0  }
0x12: {  	s1 =	sld [smem:$0x3F9C];
	s0 =	simm.s32 @p0 $0x1  }
0x13: {  	[smem:$0x3FB7] =	sst s0;
	s0 =	simm.s32 @!p1 $0x0  }
0x14: {  	s2 =	sld [smem:$0x3F9B];
	s0 =	simm.s32 @p1 $0x1  }
0x15: {  	[smem:$0x3FB8] =	sst s0;
	s0 =	simm.s32 @!p2 $0x0  }
0x16: {  	s3 =	sld [smem:$0x3FDB];
	s0 =	simm.s32 @p2 $0x1  }
0x17: {  	s4 =	simm.s32 $0x1BF5;
	[smem:$0x3FBA] =	sst s0  }
0x18: {  	s0 =	sld [smem:$0x3F9D];
	_ =	swait.ge [sflag:s4], $0x0  }
0x19: {  	s7 =	sld [smem:$0x3F9E]  }
0x1a: {  	s8 =	sadd.s32 $0xFFFFE003, lr  }
0x1b: {  	s9 =	sadd.s32 $0xFFFFFEF7, lr;
	s5 =	simm.s32 $0xFFFFFFFF;
	p2 =	slt.u32 s8, $0xFFFFF086  }
0x1c: {  	p1 =	slt.u32 s9, $0xF7A;
	s5 =	simm.s32 @!p2 $0x0  }
0x1d: {  	s5 =	simm.s32 @p1 $0x1;
	p0 =	seq.s32 s7, s2  }
0x1e: {  	s7 =	smul.u32 @!p0 $0xF7A, s2;
	p2 =	seq.s32 @!p0 s5, $0x0  }
0x1f: {  	s9 =	smul.u32 $0xF7A, s1;
	s8 =	simm.s32 @!p0 $0x1BF5;
	p2 =	por !p2, p0  }
0x20: {  	[sflag:s8] =	ssyncset.s32 @!p0 $0xFFFFF086;
	s6 =	sadd.s32 @!p0 s3, s7;
	s7 =	simm.s32 @!p0 $0x108  }
0x21: {  	s3 =	sadd.s32 s3, s9;
	s6 =	sadd.s32 @!p0 $0x88, s6;
	s7 =	simm.s32 @p2 $0x1082  }
0x22: {  	[simem:s7], [sflag:s8] =	dma.local @!p0 [hbm:s6], $0xF7A  }
0x23: {  	s9 =	sor.u32 $0xD0000000, s2;
	s6 =	simm.s32 $0x108;
	_ =	swait.ge @!p0 [sflag:s8], $0x0  }
0x24: {  	s3 =	sadd.s32 $0x88, s3;
	s6 =	simm.s32 @!p1 $0x1082;
	[sflag:s4] =	ssyncset.s32 $0xFFFFF086  }
0x25: {  	[simem:s6], [sflag:s4] =	dma.local [hbm:s3], $0xF7A  }
0x26: {  	[smem:$0x3F9E] =	sst s1;
	(tag) =	ssettag s2;
	_ =	strace s9  }
0x27: {  	s1 =	sld [smem:$0x3FAE]  }
0x28: {  	s2 =	sld [smem:$0x3FAF]  }
0x29: {  	s4 =	sld [smem:$0x3FB1]  }
0x2a: {  	p0 =	seq.s32 s5, $0x0;
	s5 =	sld [smem:$0x3FB2]  }
0x2b: {  	s6 =	sld [smem:$0x3FB3]  }
0x2c: {  	s7 =	sld [smem:$0x3FB4]  }
0x2d: {  	s3 =	simm.s32 $0x108;
	s8 =	sld [smem:$0x3FB5]  }
0x2e: {  	s3 =	simm.s32 @!p0 $0x1082;
	s9 =	sld [smem:$0x3FB6]  }
0x2f: {  	lr =	sadd.s32 s0, s3;
	s0 =	sld [smem:$0x3FAD]  }
0x30: {  	s3 =	sld [smem:$0x3FB0]  }
0x31: {  	[smem:$0x3FB9] =	sst s10  }
0x32: {  	s10 =	sld [smem:$0x3FB7];
	_ =	sdelay $0x3  }
0x33: {  	p0 =	seq.s32 s10, $0x1;
	s10 =	sld [smem:$0x3FB9];
	_ =	sdelay $0x3  }
0x34: {  	[smem:$0x3FB9] =	sst s10  }
0x35: {  	s10 =	sld [smem:$0x3FB8];
	_ =	sdelay $0x3  }
0x36: {  	p1 =	seq.s32 s10, $0x1;
	s10 =	sld [smem:$0x3FB9];
	_ =	sdelay $0x3  }
0x37: {  	[smem:$0x3FB9] =	sst s10  }
0x38: {  	s10 =	sld [smem:$0x3FBA]  }
0x39: {  	_ = 	snop;
	(pc) =	sbr.ind lr, $3  }
0x3a: {  	_ = 	snop  }
0x3b: {  	_ = 	snop  }
0x3c: {  	p2 =	seq.s32 s10, $0x1;
	s10 =	sld [smem:$0x3FB9]  }
0x3d: {  	_ =	shalt  }
0x3e: {  	_ =	shalt  }
0x3f: {  	_ =	shalt  }
0x40: {  	_ =	shalt  }
0x41: {  	_ =	shalt  }
0x42: {  	_ =	shalt  }
0x43: {  	_ =	shalt  }
0x44: {  	_ =	shalt  }
0x45: {  	_ =	shalt  }
0x46: {  	_ =	shalt  }
0x47: {  	_ =	shalt  }
0x48: {  	_ =	shalt  }
0x49: {  	_ =	shalt  }
0x4a: {  	_ =	shalt  }
0x4b: {  	_ =	shalt  }
0x4c: {  	_ =	shalt  }
0x4d: {  	_ =	shalt  }
0x4e: {  	_ =	shalt  }
0x4f: {  	_ =	shalt  }
0x50: {  	_ =	shalt  }
0x51: {  	_ =	shalt  }
0x52: {  	_ =	shalt  }
0x53: {  	_ =	shalt  }
0x54: {  	_ =	shalt  }
0x55: {  	_ =	shalt  }
0x56: {  	_ =	shalt  }
0x57: {  	_ =	shalt  }
0x58: {  	_ =	shalt  }
0x59: {  	_ =	shalt  }
0x5a: {  	_ =	shalt  }
0x5b: {  	_ =	shalt  }
0x5c: {  	_ =	shalt  }
0x5d: {  	_ =	shalt  }
0x5e: {  	_ =	shalt  }
0x5f: {  	_ =	shalt  }
0x60: {  	_ =	shalt  }
0x61: {  	_ =	shalt  }
0x62: {  	_ =	shalt  }
0x63: {  	_ =	shalt  }
0x64: {  	_ =	shalt  }
0x65: {  	_ =	shalt  }
0x66: {  	_ =	shalt  }
0x67: {  	_ =	shalt  }
0x68: {  	_ =	shalt  }
0x69: {  	_ =	shalt  }
0x6a: {  	_ =	shalt  }
0x6b: {  	_ =	shalt  }
0x6c: {  	_ =	shalt  }
0x6d: {  	_ =	shalt  }
0x6e: {  	_ =	shalt  }
0x6f: {  	_ =	shalt  }
0x70: {  	_ =	shalt  }
0x71: {  	_ =	shalt  }
0x72: {  	_ =	shalt  }
0x73: {  	_ =	shalt  }
0x74: {  	_ =	shalt  }
0x75: {  	_ =	shalt  }
0x76: {  	_ =	shalt  }
0x77: {  	_ =	shalt  }
0x78: {  	_ =	shalt  }
0x79: {  	_ =	shalt  }
0x7a: {  	_ =	shalt  }
0x7b: {  	_ =	shalt  }
0x7c: {  	_ =	shalt  }
0x7d: {  	_ =	shalt  }
0x7e: {  	_ =	shalt  }
0x7f: {  	_ =	shalt  }
0x80: {  	_ =	shalt  }
0x81: {  	_ =	shalt  }
0x82: {  	_ =	shalt  }
0x83: {  	_ =	shalt  }
0x84: {  	_ =	shalt  }
0x85: {  	_ =	shalt  }
0x86: {  	_ =	shalt  }
0x87: {  	_ =	shalt  }
.Lfunc_end0:
.L_simem_size_0:
called_computation.1_lowered:
.L_overlay_start_0:
0x88: {  	s2 =	sld [smem:$0x3FD9]  }
0x89: {  	s3 =	sld [smem:$0x3FFE];
	_ =	sdelay $0x1  }
0x8a: {  	s1 =	srdreg.scid  }
0x8b: {  	s0 =	sand.u32 $0x1, s1  }
0x8c: {  	s17 =	sshll.u32 s0, $0xA;
	s2 =	sadd.s32 s3, s2  }
0x8d: {  	s2 =	sadd.s32 s2, s17  }
0x8e: {  	[smem:$0x3FC5] =	sst s2  }
0x8f: {  	_ = 	snop  }
0x90: {  	(tm) =	ssettm $0x1  }
0x91: {  	s18 =	sld [smem:$0x3FFB];
	_ =	sdelay $0x3  }
0x92: {  	_ =	strace s18  }
0x93: {  	s2 =	sld [smem:$0x3FFC];
	_ =	sdelay $0x3  }
0x94: {  	_ =	strace s2  }
0x95: {  	s2 =	sld [smem:$0x3FFD];
	_ =	sdelay $0x3  }
0x96: {  	_ =	strace s2  }
0x97: {  	_ =	strace $0x8FFFFFFF  }
0x98: {  	s19 =	sld [smem:$0x3FDB];
	_ =	sdelay $0x1  }
0x99: {  	s20 =	simm.s32 $_scs_section_size  }
0x9a: {  	s4 =	simm.s32 $_size__tile_overlayer_lowered;
	s5 =	simm.s32 $_tile_overlayer_lowered  }
0x9b: {  	s6 =	simm.s32 $0x1BFF;
	s21 =	sshll.u32 s5, $0x1;
	s3 =	sadd.s32 s20, s19  }
0x9c: {  	s22 =	simm.s32 $0x0;
	s4 =	sshll.u32 s4, $0x1;
	s5 =	sadd.s32 s21, s3  }
0x9d: {  	[timem:s22], [sflag:s6] =	dma.local [hbm:s5], s4  }
0x9e: {  	_ =	swait.ge [sflag:s6], s4  }
0x9f: {  	s4 =	ssub.s32 $0x0, s4;
	[sflag:s6] =	ssyncset.done $0x0  }
0xa0: {  	[sflag:s6] =	ssyncadd.s32 s4;
	_ =	sdelay $0x1  }
0xa1: {  	s23 =	simm.s32 $0x1B8B  }
0xa2: {  	_ =	swait.ge [sflag:s23], $0x1  }
0xa3: {  	[sflag:s23] =	ssyncset.done $0x0  }
0xa4: {  	[sflag:s23] =	ssyncadd.s32 $0xFFFFFFFF  }
0xa5: {  	s4 =	sld [smem:$0x0]  }
0xa6: {  	s5 =	sand.u32 $0xFFFFFFFE, s1  }
0xa7: {  	p0 =	sne.s32 s1, s5  }
0xa8: {  	s5 =	sshll.u32 @p0 s5, $0xE  }
0xa9: {  	s5 =	sadd.s32 @p0 $0x11B8D, s5;
	s6 =	sshll.u32 @p0 s4, $0x11  }
0xaa: {  	s5 =	sor.u32 @p0 s6, s5  }
0xab: {  	[sflag:s5] =	ssyncadd.remote.s32 @p0 $0x1;
	_ =	sdelay $0x1  }
0xac: {  	s5 =	simm.s32 @p0 $0x1B8D  }
0xad: {  	_ =	swait.eq @p0 [sflag:s5], $0x1  }
0xae: {  	[sflag:s5] =	ssyncadd.s32 @p0 $0xFFFFFFFF  }
0xaf: {  	s6 =	sshll.u32 @!p0 s1, $0xE  }
0xb0: {  	s6 =	sor.u32 @!p0 $0x4000, s6;
	s5 =	simm.s32 @!p0 $0x1B8D  }
0xb1: {  	s4 =	sshll.u32 @!p0 s4, $0x11;
	s6 =	sadd.s32 @!p0 $0x11B8D, s6;
	_ =	swait.eq @!p0 [sflag:s5], $0x1  }
0xb2: {  	s4 =	sor.u32 @!p0 s4, s6;
	[sflag:s5] =	ssyncadd.s32 @!p0 $0xFFFFFFFF  }
0xb3: {  	s25 =	simm.s32 $0x1B8E;
	s24 =	sld [smem:$0x3FFE];
	[sflag:s4] =	ssyncadd.remote.s32 @!p0 $0x1  }
0xb4: {  	s26 =	simm.s32 $execute0_lowered;
	[smem:$0x3FD2] =	sst s25  }
0xb5: {  	s5 =	sshll.u32 s26, $0x1;
	_ =	strace $0x80000049;
	[dreg:$0x1] =	wrdreg $0xFFFFFFFF  }
0xb6: {  	s28 =	simm.s32 $_size_execute0_lowered;
	s3 =	sadd.s32 s3, s5;
	[dreg:$0x0] =	wrdreg $0x0  }
0xb7: {  	s5 =	sshll.u32 s28, $0x1;
	[dreg:$0x2] =	wrdreg s3  }
0xb8: {  	[dreg:$0x3] =	wrdreg s5  }
0xb9: {  	[dreg:$0x4] =	wrdreg $0xC0  }
0xba: {  	_ =	task [dreg:s22], $0x5FFFF  }
0xbb: {  	[dreg:$0x1] =	wrdreg $0xFFFFFFFF  }
0xbc: {  	[dreg:$0x0] =	wrdreg $0x60  }
0xbd: {  	[dreg:$0x2] =	wrdreg s24  }
0xbe: {  	[dreg:$0x3] =	wrdreg $0xA  }
0xbf: {  	_ =	task.clear_ibuf [dreg:s22], $0x4FFFF;
	_ =	strace $0x90000049  }
0xc0: {  	s29 =	simm.s32 $0xA;
	_ =	strace $0x8000004B  }
0xc1: {  	_ =	swait.ge [sflag:s29], $0x1  }
0xc2: {  	[sflag:s29] =	ssyncadd.s32 $0xFFFFFFFF  }
0xc3: {  	_ =	strace $0x9000004B  }
0xc4: {  	_ =	sfence  }
0xc5: {  	s30 =	sld [smem:$0x0];
	_ =	sdelay $0x2  }
0xc6: {  	s31 =	sshll.u32 s1, $0xD;
	s1 =	sshrl.u32 s1, $0x2  }
0xc7: {  	s4 =	sand.u32 $0x4000, s31;
	s1 =	sadd.s32 s1, s30  }
0xc8: {  	s0 =	sor.u32 s4, s0;
	s1 =	sshll.u32 s1, $0x11  }
0xc9: {  	s0 =	sor.u32 s1, s0  }
0xca: {  	s0 =	sadd.s32 $0x8F2B, s0  }
0xcb: {  	[sflag:s0] =	ssyncadd.remote.s32 $0x1  }
0xcc: {  	_ =	sfence.sel $0xFFFF  }
0xcd: {  	[dreg:$0x0] =	wrdreg $0xFFFFFFFF;
	(pc) =	sbr.abs _section_cstart, $3  }
0xce: {  	[dreg:$0x1] =	wrdreg $0xFFFFFFFF  }
0xcf: {  	_ =	task.clear_ibuf [dreg:s22], $0x2FFFF;
	_ =	strace $0x9FFFFFFF  }
0xd0: {  	(tm) =	ssettm $0x7FFFFFFF  }
0xd1: {  	_ =	shalt  }
tec
execute0_lowered:
.L_overlay_start_1:
0x0: {  	(tag) =	ssettag $0x1  }
0x1: {  	s3 =	rddreg [dreg:$0x0]  }
0x2: {  	s0 =	rddreg [dreg:$0x1]  }
0x3: {  	s1 =	simm.s32 $0x0;
	s2 =	srdreg.scid;
	s12 =	simm.s32 $0xC000  }
0x4: {  	s13 =	simm.s32 $0x1;
	s14 =	simm.s32 $0x10000;
	s15 =	simm.s32 $0x2  }
0x5: {  	s16 =	simm.s32 $0x14000;
	s17 =	simm.s32 $0x3;
	s18 =	simm.s32 $0x4  }
0x6: {  	s19 =	simm.s32 $0x0;
	[smem:$0x7FF] =	sst s1;
	s5 =	sadd.s32 $0x41E00, s3  }
0x7: {  	s4 =	sand.u32 $0x1, s2;
	s6 =	sadd.s32 $0x61E00, s3;
	s2 =	stileid.u32  }
0x8: {  	s7 =	ssub.s32 $0x2, s4;
	s9 =	sshll.u32 s2, $0xD;
	s4 =	sshll.u32 s4, $0xC  }
0x9: {  	s10 =	sadd.s32 $0x81E00, s3;
	s8 =	sshrl.u32 s7, $0x1;
	s30 =	sor.u32 s4, s9  }
0xa: {  	_ =	strace $0x8000004A;
	s11 =	ssub.s32 s7, s8;
	s3 =	sadd.s32 s5, s30  }
0xb: {  	s4 =	sadd.s32 s6, s30;
	s31 =	sor.u32 $0x800, s30;
	s7 =	sadd.s32 s10, s30  }
0xc: {  	s5 =	sadd.s32 s5, s31;
	s6 =	sadd.s32 s6, s31;
	s8 =	sadd.s32 s10, s31  }
0xd: {  	s9 =	smax.u32 s11, $0x1;
	s10 =	simm.s32 $0x8000;
	s11 =	simm.s32 $0x4000  }
.LBB2_1:
0xe: {  	[tilespmem:s1], [sflag:$0x1] =	stream.linear.gather [hbm4b:s3+s1], $0x4000, $0x38;
	[tilespmem:$0x18000] =	vst v63  }
0xf: {  	_ = 	snop  }
0x10: {  	[tilespmem:s10], [sflag:$0x1] =	stream.linear.gather [hbm4b:s4+s1], $0x4000, $0x38;
	[tilespmem:$0x18000] =	vst v63  }
0x11: {  	_ = 	snop  }
0x12: {  	[tilespmem:s11], [sflag:$0x2] =	stream.linear.gather [hbm4b:s5+s1], $0x4000, $0x38;
	[tilespmem:$0x18000] =	vst v63  }
0x13: {  	_ = 	snop  }
0x14: {  	[tilespmem:s12], [sflag:$0x2] =	stream.linear.gather [hbm4b:s6+s1], $0x4000, $0x38;
	[tilespmem:$0x18000] =	vst v63  }
0x15: {  	_ =	swait.ge [sflag:s13], $0x4000  }
0x16: {  	[sflag:s13] =	ssyncset.done $0x0  }
0x17: {  	[sflag:s13] =	ssyncadd.s32 $0xFFFFC000  }
0x18: {  	_ =	swait.ge [sflag:s13], $0x4000  }
0x19: {  	[sflag:s13] =	ssyncset.done $0x0  }
0x1a: {  	s20 =	simm.s32 $0x40;
	[sflag:s13] =	ssyncadd.s32 $0xFFFFC000  }
0x1b: {  	v0 =	vld [tilespmem:s20+$0x30]  }
0x1c: {  	v1 =	vld [tilespmem:s20+$0xFFFFFFD0]  }
0x1d: {  	v2 =	vld [tilespmem:s20+$0xFFFFFFE0]  }
0x1e: {  	v3 =	vld [tilespmem:s20+$0xFFFFFFF0]  }
0x1f: {  	v4 =	vld [tilespmem:s20+$0x0]  }
0x20: {  	v5 =	vld [tilespmem:s20+$0x10]  }
0x21: {  	v9 =	vld [tilespmem:s20+$0x20]  }
0x22: {  	v10 =	vld [tilespmem:s20+$0xFFFFFFC0]  }
0x23: {  	v6 =	vshrl.u32 v0, $0x8;
	v7 =	vand.u32 $0x7F, v0  }
0x24: {  	v8 =	vshrl.u32 v1, $0x8;
	v11 =	vshrl.u32 v2, $0x8;
	v12 =	vand.u32 $0x7F, v1  }
0x25: {  	v13 =	vshrl.u32 v3, $0x8;
	v14 =	vand.u32 $0x7F, v2;
	v15 =	vshrl.u32 v4, $0x8  }
0x26: {  	v16 =	vand.u32 $0x7F, v3;
	v17 =	vshrl.u32 v5, $0x8;
	v18 =	vand.u32 $0x7F, v4  }
0x27: {  	v19 =	vshrl.u32 v9, $0x8;
	v20 =	vshrl.u32 v10, $0x8;
	v21 =	vand.u32 $0x7F, v10  }
0x28: {  	v22 =	vand.u32 $0x7F, v5;
	v23 =	vand.u32 $0x7F, v9;
	v24 =	vand.u32 $0x80, v0  }
0x29: {  	v0 =	vand.u32 $0x8000, v0;
	v25 =	vand.u32 $0x80, v2;
	v26 =	vand.u32 $0x80, v3  }
0x2a: {  	s21 =	simm.s32 $0x0;
	v27 =	vand.u32 $0x8000, v3;
	v28 =	vand.u32 $0x8000, v4;
	v29 =	vand.u32 $0x80, v5  }
0x2b: {  	v30 =	vand.u32 $0x80, v9;
	v7 =	vor.u32 s21, v7;
	v6 =	vand.u32 $0x7F, v6  }
0x2c: {  	v31 =	vand.u32 $0x8000, v9;
	v11 =	vand.u32 $0x7F, v11;
	v6 =	vor.u32 s21, v6  }
0x2d: {  	v8 =	vand.u32 $0x7F, v8;
	v13 =	vand.u32 $0x7F, v13;
	v11 =	vor.u32 s21, v11  }
0x2e: {  	v15 =	vand.u32 $0x7F, v15;
	v19 =	vand.u32 $0x7F, v19;
	v13 =	vor.u32 s21, v13  }
0x2f: {  	v17 =	vand.u32 $0x7F, v17;
	v20 =	vand.u32 $0x7F, v20;
	v19 =	vor.u32 s21, v19  }
0x30: {  	vm0 =	veq.s32 v24, $0x0;
	vm1 =	veq.s32 v0, $0x0;
	v21 =	vor.u32 s21, v21;
	v7 =	vld.idx.msk [tilespmem:v7+s10+$0x0], $0xffff  }
0x31: {  	v12 =	vor.u32 s21, v12;
	v14 =	vor.u32 s21, v14;
	vm2 =	veq.s32 v25, $0x0;
	v6 =	vld.idx.msk [tilespmem:v6+s10+$0x0], $0xffff  }
0x32: {  	vm3 =	veq.s32 v26, $0x0;
	vm10 =	veq.s32 v27, $0x0;
	vm11 =	veq.s32 v28, $0x0;
	v11 =	vld.idx.msk [tilespmem:v11+s10+$0x0], $0xffff  }
0x33: {  	vm5 =	veq.s32 v30, $0x0;
	vm7 =	veq.s32 v31, $0x0;
	v20 =	vor.u32 s21, v20;
	v13 =	vld.idx.msk [tilespmem:v13+s10+$0x0], $0xffff  }
0x34: {  	v8 =	vor.u32 s21, v8;
	v15 =	vor.u32 s21, v15;
	v3 =	vld.idx.msk [tilespmem:v19+s10+$0x0], $0xffff;
	v19 =	vand.u32 $0x8000, v5  }
0x35: {  	v17 =	vor.u32 s21, v17;
	vm12 =	veq.s32 v19, $0x0;
	v63 =	vshrl.u32 v7, $0x10  }
0x36: {  	v0 =	vand.u32 $0xFFFF, v7;
	v7 =	vand.u32 $0xFFFF0000, v6;
	v6 =	vshll.u32 v6, $0x10  }
0x37: {  	v0 =	vsel vm0, v0, v63;
	v35 =	vand.u32 $0xFFFF0000, v11;
	v36 =	vshll.u32 v11, $0x10  }
0x38: {  	v37 =	vand.u32 $0xFFFF0000, v13;
	v38 =	vshll.u32 v13, $0x10;
	v6 =	vsel vm1, v6, v7  }
0x39: {  	v7 =	vld.idx.msk [tilespmem:v20+s10+$0x0], $0xffff;
	v20 =	vor.u32 s21, v23;
	v23 =	vand.u32 $0x8000, v1;
	v24 =	vor.u32 v0, v6  }
0x3a: {  	v0 =	vld.idx.msk [tilespmem:v8+s10+$0x0], $0xffff;
	v6 =	vor.u32 s21, v16;
	v8 =	vor.u32 s21, v18;
	v16 =	vor.u32 s21, v22  }
0x3b: {  	v18 =	vand.u32 $0x80, v10;
	v10 =	vand.u32 $0x8000, v10;
	v22 =	vand.u32 $0x80, v1;
	v1 =	vld.idx.msk [tilespmem:v15+s10+$0x0], $0xffff  }
0x3c: {  	v15 =	vand.u32 $0x8000, v2;
	v2 =	vld.idx.msk [tilespmem:v17+s10+$0x0], $0xffff;
	v17 =	vand.u32 $0x80, v4;
	vm8 =	veq.s32 v23, $0x0  }
0x3d: {  	v4 =	vld.idx.msk [tilespmem:v21+s10+$0x0], $0xffff;
	vm0 =	veq.s32 v18, $0x0;
	vm4 =	veq.s32 v10, $0x0;
	vm9 =	veq.s32 v15, $0x0  }
0x3e: {  	v5 =	vld.idx.msk [tilespmem:v12+s10+$0x0], $0xffff;
	vm1 =	veq.s32 v22, $0x0;
	vm6 =	veq.s32 v17, $0x0;
	v19 =	vsel vm9, v36, v35  }
0x3f: {  	v21 =	vand.u32 $0xFFFF0000, v7;
	v32 =	vshll.u32 v7, $0x10;
	v7 =	vld.idx.msk [tilespmem:v14+s10+$0x0], $0xffff;
	v33 =	vand.u32 $0xFFFF0000, v0  }
0x40: {  	v34 =	vshll.u32 v0, $0x10;
	v39 =	vand.u32 $0xFFFF0000, v1;
	v9 =	vld.idx.msk [tilespmem:v6+s10+$0x0], $0xffff;
	v40 =	vshll.u32 v1, $0x10  }
0x41: {  	v41 =	vand.u32 $0xFFFF0000, v2;
	v42 =	vshll.u32 v2, $0x10;
	v11 =	vld.idx.msk [tilespmem:v8+s10+$0x0], $0xffff;
	v0 =	vand.u32 $0xFFFF0000, v3  }
0x42: {  	v1 =	vshll.u32 v3, $0x10;
	v13 =	vld.idx.msk [tilespmem:v16+s10+$0x0], $0xffff;
	v2 =	vshrl.u32 v4, $0x10;
	v3 =	vand.u32 $0xFFFF, v4  }
0x43: {  	v16 =	vld.idx.msk [tilespmem:v20+s10+$0x0], $0xffff;
	v4 =	vshrl.u32 v5, $0x10;
	v6 =	vand.u32 $0xFFFF, v5;
	v18 =	vsel vm4, v32, v21  }
0x44: {  	vm4 =	veq.s32 v29, $0x0;
	v21 =	vsel vm10, v38, v37;
	v20 =	vsel vm8, v34, v33  }
0x45: {  	v17 =	vsel vm11, v40, v39;
	v5 =	vshrl.u32 v7, $0x10;
	v7 =	vand.u32 $0xFFFF, v7  }
0x46: {  	v8 =	vshrl.u32 v9, $0x10;
	v9 =	vand.u32 $0xFFFF, v9;
	v10 =	vshrl.u32 v11, $0x10  }
0x47: {  	s20 =	simm.s32 $0x10040;
	v12 =	vand.u32 $0xFFFF, v11;
	v11 =	vshrl.u32 v13, $0x10;
	v13 =	vand.u32 $0xFFFF, v13  }
0x48: {  	s22 =	simm.s32 $0xC0;
	s23 =	simm.s32 $0x0;
	s21 =	simm.s32 $0x0;
	[tilespmem:s20+$0x30] =	vst v24;
	v14 =	vshrl.u32 v16, $0x10;
	v15 =	vand.u32 $0xFFFF, v16;
	v16 =	vsel vm12, v42, v41  }
.LBB2_2:
0x49: {  	v22 =	vld [tilespmem:s22+$0x30];
	s21 =	sadd.s32 $0x8, s21;
	v2 =	vsel vm0, v3, v2;
	v3 =	vsel vm1, v6, v4;
	v0 =	vsel vm7, v1, v0  }
0x4a: {  	v4 =	vsel vm2, v7, v5;
	v5 =	vsel vm3, v9, v8;
	v6 =	vsel vm6, v12, v10;
	v1 =	vld [tilespmem:s22+$0xFFFFFFD0];
	p0 =	slt.u32 s21, $0x3F8  }
0x4b: {  	v8 =	vsel vm4, v13, v11;
	v9 =	vsel vm5, v15, v14;
	v2 =	vor.u32 v2, v18;
	v7 =	vld [tilespmem:s22+$0xFFFFFFE0]  }
0x4c: {  	v10 =	vld [tilespmem:s22+$0xFFFFFFF0];
	[tilespmem:s20+$0xFFFFFFC0] =	vst v2;
	v2 =	vor.u32 v3, v20;
	v3 =	vor.u32 v4, v19;
	v4 =	vor.u32 v5, v21  }
0x4d: {  	s23 =	sadd.s32 $0x1, s23;
	v0 =	vor.u32 v9, v0;
	v5 =	vld [tilespmem:s22+$0x0];
	[tilespmem:s20+$0xFFFFFFD0] =	vst v2;
	v2 =	vor.u32 v6, v17;
	v6 =	vor.u32 v8, v16  }
0x4e: {  	s24 =	sshll.u32 s23, $0x7;
	v8 =	vld [tilespmem:s22+$0x10];
	v9 =	vshrl.u32 v22, $0x8;
	v11 =	vand.u32 $0x7F, v22;
	[tilespmem:s20+$0xFFFFFFE0] =	vst v3  }
0x4f: {  	v3 =	vshrl.u32 v1, $0x8;
	v12 =	vld [tilespmem:s22+$0x20];
	v11 =	vor.u32 s24, v11;
	v9 =	vand.u32 $0x7F, v9;
	[tilespmem:s20+$0xFFFFFFF0] =	vst v4  }
0x50: {  	v4 =	vld [tilespmem:s22+$0xFFFFFFC0];
	v3 =	vand.u32 $0x7F, v3;
	v13 =	vshrl.u32 v7, $0x8;
	v9 =	vor.u32 s24, v9;
	[tilespmem:s20+$0x0] =	vst v2  }
0x51: {  	v2 =	vand.u32 $0x7F, v1;
	v13 =	vand.u32 $0x7F, v13;
	v14 =	vshrl.u32 v10, $0x8;
	[tilespmem:s20+$0x10] =	vst v6  }
0x52: {  	v6 =	vand.u32 $0x7F, v7;
	v14 =	vand.u32 $0x7F, v14;
	v15 =	vshrl.u32 v5, $0x8;
	[tilespmem:s20+$0x20] =	vst v0  }
0x53: {  	v0 =	vand.u32 $0x7F, v10;
	v15 =	vand.u32 $0x7F, v15;
	v16 =	vshrl.u32 v8, $0x8  }
0x54: {  	v17 =	vand.u32 $0x7F, v5;
	v16 =	vand.u32 $0x7F, v16;
	v18 =	vshrl.u32 v12, $0x8;
	v11 =	vld.idx.msk [tilespmem:v11+s10+$0x0], $0xffff  }
0x55: {  	v19 =	vshrl.u32 v4, $0x8;
	v20 =	vand.u32 $0x7F, v4;
	v18 =	vand.u32 $0x7F, v18;
	v9 =	vld.idx.msk [tilespmem:v9+s10+$0x0], $0xffff  }
0x56: {  	v21 =	vand.u32 $0x7F, v8;
	v23 =	vand.u32 $0x7F, v12;
	v19 =	vand.u32 $0x7F, v19  }
0x57: {  	v3 =	vor.u32 s24, v3;
	v13 =	vor.u32 s24, v13;
	v19 =	vor.u32 s24, v19  }
0x58: {  	v14 =	vor.u32 s24, v14;
	v15 =	vor.u32 s24, v15;
	v16 =	vor.u32 s24, v16  }
0x59: {  	v24 =	vand.u32 $0x80, v22;
	v22 =	vand.u32 $0x8000, v22;
	v18 =	vor.u32 s24, v18  }
0x5a: {  	vm0 =	veq.s32 v24, $0x0;
	vm1 =	veq.s32 v22, $0x0;
	v24 =	vshrl.u32 v11, $0x10  }
0x5b: {  	v11 =	vand.u32 $0xFFFF, v11;
	v22 =	vand.u32 $0xFFFF0000, v9;
	v9 =	vshll.u32 v9, $0x10  }
0x5c: {  	v20 =	vor.u32 s24, v20;
	v11 =	vsel vm0, v11, v24;
	v9 =	vsel vm1, v9, v22;
	v19 =	vld.idx.msk [tilespmem:v19+s10+$0x0], $0xffff  }
0x5d: {  	v2 =	vor.u32 s24, v2;
	v6 =	vor.u32 s24, v6;
	s20 =	sadd.s32 $0x80, s20;
	v9 =	vor.u32 v11, v9;
	v3 =	vld.idx.msk [tilespmem:v3+s10+$0x0], $0xffff  }
0x5e: {  	v0 =	vor.u32 s24, v0;
	v11 =	vld.idx.msk [tilespmem:v13+s10+$0x0], $0xffff;
	v13 =	vor.u32 s24, v17;
	v17 =	vor.u32 s24, v21;
	[tilespmem:s20+$0x30] =	vst v9  }
0x5f: {  	v9 =	vand.u32 $0x80, v4;
	v4 =	vand.u32 $0x8000, v4;
	v21 =	vor.u32 s24, v23;
	v14 =	vld.idx.msk [tilespmem:v14+s10+$0x0], $0xffff  }
0x60: {  	v24 =	vand.u32 $0x80, v7;
	v22 =	vand.u32 $0x80, v1;
	v23 =	vand.u32 $0x8000, v1;
	v1 =	vld.idx.msk [tilespmem:v15+s10+$0x0], $0xffff  }
0x61: {  	v25 =	vand.u32 $0x80, v10;
	v26 =	vand.u32 $0x8000, v10;
	v15 =	vand.u32 $0x8000, v7;
	v7 =	vld.idx.msk [tilespmem:v16+s10+$0x0], $0xffff  }
0x62: {  	v27 =	vand.u32 $0x8000, v5;
	v28 =	vand.u32 $0x80, v8;
	v16 =	vand.u32 $0x80, v5;
	v5 =	vld.idx.msk [tilespmem:v18+s10+$0x0], $0xffff  }
0x63: {  	v29 =	vand.u32 $0x8000, v12;
	v18 =	vand.u32 $0x8000, v8;
	v10 =	vld.idx.msk [tilespmem:v20+s10+$0x0], $0xffff;
	v20 =	vand.u32 $0x80, v12  }
0x64: {  	v30 =	vand.u32 $0xFFFF0000, v19;
	v19 =	vshll.u32 v19, $0x10;
	v31 =	vand.u32 $0xFFFF0000, v3;
	v8 =	vld.idx.msk [tilespmem:v2+s10+$0x0], $0xffff  }
0x65: {  	v32 =	vshll.u32 v3, $0x10;
	v33 =	vand.u32 $0xFFFF0000, v11;
	v34 =	vshll.u32 v11, $0x10;
	v12 =	vld.idx.msk [tilespmem:v6+s10+$0x0], $0xffff  }
0x66: {  	v35 =	vand.u32 $0xFFFF0000, v14;
	v36 =	vshll.u32 v14, $0x10;
	v37 =	vand.u32 $0xFFFF0000, v1;
	v11 =	vld.idx.msk [tilespmem:v0+s10+$0x0], $0xffff  }
0x67: {  	v38 =	vshll.u32 v1, $0x10;
	v39 =	vand.u32 $0xFFFF0000, v7;
	v40 =	vshll.u32 v7, $0x10;
	v13 =	vld.idx.msk [tilespmem:v13+s10+$0x0], $0xffff  }
0x68: {  	vm0 =	veq.s32 v9, $0x0;
	v0 =	vand.u32 $0xFFFF0000, v5;
	v1 =	vshll.u32 v5, $0x10;
	v14 =	vld.idx.msk [tilespmem:v17+s10+$0x0], $0xffff  }
0x69: {  	vm8 =	veq.s32 v4, $0x0;
	v2 =	vshrl.u32 v10, $0x10;
	v3 =	vand.u32 $0xFFFF, v10;
	v17 =	vld.idx.msk [tilespmem:v21+s10+$0x0], $0xffff  }
0x6a: {  	vm1 =	veq.s32 v22, $0x0;
	v4 =	vshrl.u32 v8, $0x10;
	v6 =	vand.u32 $0xFFFF, v8  }
0x6b: {  	vm9 =	veq.s32 v23, $0x0;
	v5 =	vshrl.u32 v12, $0x10;
	v7 =	vand.u32 $0xFFFF, v12  }
0x6c: {  	vm2 =	veq.s32 v24, $0x0;
	v8 =	vshrl.u32 v11, $0x10;
	v9 =	vand.u32 $0xFFFF, v11  }
0x6d: {  	vm10 =	veq.s32 v15, $0x0;
	v10 =	vshrl.u32 v13, $0x10;
	v12 =	vand.u32 $0xFFFF, v13  }
0x6e: {  	vm3 =	veq.s32 v25, $0x0;
	v11 =	vshrl.u32 v14, $0x10;
	v13 =	vand.u32 $0xFFFF, v14  }
.Ltmp0:
0x6f: {  	vm11 =	veq.s32 v26, $0x0;
	v14 =	vshrl.u32 v17, $0x10;
	v15 =	vand.u32 $0xFFFF, v17;
	(pc) =	sbr.rel @p0 .LBB2_2-.Ltmp0, $4  }
0x70: {  	vm12 =	veq.s32 v27, $0x0;
	vm4 =	veq.s32 v28, $0x0;
	vm6 =	veq.s32 v16, $0x0  }
0x71: {  	vm7 =	veq.s32 v29, $0x0;
	vm13 =	veq.s32 v18, $0x0;
	vm5 =	veq.s32 v20, $0x0  }
0x72: {  	v18 =	vsel vm8, v19, v30;
	v20 =	vsel vm9, v32, v31;
	v19 =	vsel vm10, v34, v33  }
0x73: {  	s22 =	sadd.s32 $0x80, s22;
	v16 =	vsel vm13, v40, v39;
	v21 =	vsel vm11, v36, v35;
	v17 =	vsel vm12, v38, v37  }
0x74: {  	v2 =	vsel vm0, v3, v2  }
0x75: {  	v3 =	vsel vm1, v6, v4;
	v4 =	vsel vm2, v7, v5;
	v2 =	vor.u32 v2, v18  }
0x76: {  	v0 =	vsel vm7, v1, v0;
	v1 =	vsel vm5, v15, v14;
	v4 =	vor.u32 v4, v19;
	[tilespmem:s20+$0xFFFFFFC0] =	vst v2  }
0x77: {  	v0 =	vor.u32 v1, v0;
	[tilespmem:s20+$0xFFFFFFE0] =	vst v4  }
0x78: {  	v2 =	vor.u32 v3, v20;
	v3 =	vsel vm3, v9, v8;
	[tilespmem:s20+$0x20] =	vst v0  }
0x79: {  	[tilespmem:s20+$0xFFFFFFD0] =	vst v2;
	v2 =	vsel vm6, v12, v10;
	v3 =	vor.u32 v3, v21  }
0x7a: {  	v4 =	vsel vm4, v13, v11;
	v2 =	vor.u32 v2, v17;
	[tilespmem:s20+$0xFFFFFFF0] =	vst v3  }
0x7b: {  	v3 =	vor.u32 v4, v16;
	[tilespmem:s20+$0x0] =	vst v2  }
0x7c: {  	s21 =	simm.s32 $0x0;
	[tilespmem:s20+$0x10] =	vst v3  }
0x7d: {  	[hbm4b:s7+s21] =	stream.linear.scatter [tilespmem:s14], [sflag:$0x3], $0x4000, $0x38;
	[tilespmem:$0x18000] =	vst v63  }
0x7e: {  	_ =	swait.ge [sflag:s15], $0x4000  }
0x7f: {  	[sflag:s15] =	ssyncset.done $0x0  }
0x80: {  	[sflag:s15] =	ssyncadd.s32 $0xFFFFC000  }
0x81: {  	_ =	swait.ge [sflag:s15], $0x4000  }
0x82: {  	[sflag:s15] =	ssyncset.done $0x0  }
0x83: {  	s20 =	simm.s32 $0x0;
	[sflag:s15] =	ssyncadd.s32 $0xFFFFC000  }
0x84: {  	v0 =	vld [tilespmem:s20+$0x4070]  }
0x85: {  	v1 =	vld [tilespmem:s20+$0x4000]  }
0x86: {  	v2 =	vld [tilespmem:s20+$0x4010]  }
0x87: {  	v3 =	vld [tilespmem:s20+$0x4020]  }
0x88: {  	v4 =	vld [tilespmem:s20+$0x4030]  }
0x89: {  	v5 =	vld [tilespmem:s20+$0x4040]  }
0x8a: {  	v9 =	vld [tilespmem:s20+$0x4050]  }
0x8b: {  	v11 =	vld [tilespmem:s20+$0x4060]  }
0x8c: {  	v6 =	vshrl.u32 v0, $0x8;
	v7 =	vand.u32 $0x7F, v0  }
0x8d: {  	v8 =	vshrl.u32 v1, $0x8;
	v10 =	vshrl.u32 v2, $0x8;
	v12 =	vand.u32 $0x7F, v1  }
0x8e: {  	v13 =	vshrl.u32 v3, $0x8;
	v14 =	vand.u32 $0x7F, v2;
	v15 =	vshrl.u32 v4, $0x8  }
0x8f: {  	v16 =	vand.u32 $0x7F, v3;
	v17 =	vshrl.u32 v5, $0x8;
	v18 =	vand.u32 $0x7F, v4  }
0x90: {  	v19 =	vshrl.u32 v9, $0x8;
	v20 =	vand.u32 $0x7F, v5;
	v21 =	vshrl.u32 v11, $0x8  }
0x91: {  	v22 =	vand.u32 $0x7F, v9;
	v23 =	vand.u32 $0x7F, v11;
	v24 =	vand.u32 $0x80, v0  }
0x92: {  	v0 =	vand.u32 $0x8000, v0;
	v25 =	vand.u32 $0x8000, v2;
	v26 =	vand.u32 $0x80, v3  }
0x93: {  	s22 =	simm.s32 $0x0;
	v27 =	vand.u32 $0x80, v4;
	v28 =	vand.u32 $0x8000, v4;
	v29 =	vand.u32 $0x80, v5  }
0x94: {  	v30 =	vand.u32 $0x8000, v5;
	v7 =	vor.u32 s22, v7;
	v6 =	vand.u32 $0x7F, v6  }
0x95: {  	v31 =	vand.u32 $0x80, v9;
	v32 =	vand.u32 $0x8000, v9;
	v6 =	vor.u32 s22, v6  }
0x96: {  	v33 =	vand.u32 $0x80, v11;
	v34 =	vand.u32 $0x8000, v11;
	v8 =	vand.u32 $0x7F, v8  }
0x97: {  	v10 =	vand.u32 $0x7F, v10;
	v13 =	vand.u32 $0x7F, v13;
	v15 =	vand.u32 $0x7F, v15  }
0x98: {  	v17 =	vand.u32 $0x7F, v17;
	v19 =	vand.u32 $0x7F, v19;
	v13 =	vor.u32 s22, v13  }
0x99: {  	v21 =	vand.u32 $0x7F, v21;
	vm0 =	veq.s32 v24, $0x0;
	v15 =	vor.u32 s22, v15;
	v7 =	vld.idx.msk [tilespmem:v7+s12+$0x0], $0xffff  }
0x9a: {  	vm1 =	veq.s32 v0, $0x0;
	v12 =	vor.u32 s22, v12;
	v19 =	vor.u32 s22, v19;
	v6 =	vld.idx.msk [tilespmem:v6+s12+$0x0], $0xffff  }
0x9b: {  	vm12 =	veq.s32 v25, $0x0;
	vm2 =	veq.s32 v26, $0x0;
	v8 =	vor.u32 s22, v8  }
0x9c: {  	vm3 =	veq.s32 v27, $0x0;
	vm8 =	veq.s32 v28, $0x0;
	vm6 =	veq.s32 v29, $0x0  }
0x9d: {  	vm9 =	veq.s32 v30, $0x0;
	vm4 =	veq.s32 v31, $0x0;
	v21 =	vor.u32 s22, v21;
	v13 =	vld.idx.msk [tilespmem:v13+s12+$0x0], $0xffff  }
0x9e: {  	v10 =	vor.u32 s22, v10;
	v17 =	vor.u32 s22, v17;
	v15 =	vld.idx.msk [tilespmem:v15+s12+$0x0], $0xffff;
	v24 =	vshrl.u32 v7, $0x10  }
0x9f: {  	v19 =	vld.idx.msk [tilespmem:v19+s12+$0x0], $0xffff;
	v0 =	vand.u32 $0xFFFF, v7;
	v7 =	vand.u32 $0xFFFF0000, v6;
	v6 =	vshll.u32 v6, $0x10  }
0xa0: {  	vm10 =	veq.s32 v32, $0x0;
	v6 =	vsel vm1, v6, v7;
	v7 =	vld.idx.msk [tilespmem:v8+s12+$0x0], $0xffff;
	v8 =	vor.u32 s22, v14  }
0xa1: {  	vm5 =	veq.s32 v33, $0x0;
	vm7 =	veq.s32 v34, $0x0;
	v9 =	vld.idx.msk [tilespmem:v12+s12+$0x0], $0xffff;
	v14 =	vor.u32 s22, v16  }
0xa2: {  	v5 =	vld.idx.msk [tilespmem:v21+s12+$0x0], $0xffff;
	v0 =	vsel vm0, v0, v24;
	v39 =	vand.u32 $0xFFFF0000, v13;
	v16 =	vor.u32 s22, v22  }
0xa3: {  	v40 =	vshll.u32 v13, $0x10;
	v22 =	vor.u32 s22, v23;
	v23 =	vand.u32 $0x80, v2;
	v2 =	vld.idx.msk [tilespmem:v17+s12+$0x0], $0xffff  }
0xa4: {  	v4 =	vshll.u32 v15, $0x10;
	v24 =	vor.u32 v0, v6;
	v0 =	vld.idx.msk [tilespmem:v10+s12+$0x0], $0xffff;
	v6 =	vor.u32 s22, v18  }
0xa5: {  	v17 =	vand.u32 $0x8000, v3;
	v3 =	vand.u32 $0xFFFF0000, v19;
	v10 =	vor.u32 s22, v20;
	v11 =	vld.idx.msk [tilespmem:v8+s12+$0x0], $0xffff  }
0xa6: {  	v18 =	vand.u32 $0x80, v1;
	v20 =	vand.u32 $0x8000, v1;
	v1 =	vand.u32 $0xFFFF0000, v15;
	v13 =	vld.idx.msk [tilespmem:v14+s12+$0x0], $0xffff  }
0xa7: {  	vm1 =	veq.s32 v23, $0x0;
	vm13 =	veq.s32 v17, $0x0;
	vm0 =	veq.s32 v18, $0x0;
	v18 =	vld.idx.msk [tilespmem:v16+s12+$0x0], $0xffff  }
0xa8: {  	vm11 =	veq.s32 v20, $0x0;
	v35 =	vand.u32 $0xFFFF0000, v7;
	v36 =	vshll.u32 v7, $0x10;
	v21 =	vld.idx.msk [tilespmem:v22+s12+$0x0], $0xffff  }
0xa9: {  	v7 =	vshll.u32 v2, $0x10;
	v8 =	vshrl.u32 v9, $0x10;
	v9 =	vand.u32 $0xFFFF, v9;
	v15 =	vld.idx.msk [tilespmem:v6+s12+$0x0], $0xffff  }
0xaa: {  	v22 =	vsel vm13, v40, v39;
	v37 =	vand.u32 $0xFFFF0000, v0;
	v6 =	vshll.u32 v19, $0x10;
	v19 =	vld.idx.msk [tilespmem:v10+s12+$0x0], $0xffff  }
0xab: {  	v38 =	vshll.u32 v0, $0x10;
	v0 =	vand.u32 $0xFFFF0000, v2;
	v2 =	vand.u32 $0xFFFF0000, v5  }
0xac: {  	[tilespmem:s20+$0x14070] =	vst v24;
	v5 =	vshll.u32 v5, $0x10;
	v24 =	vsel vm11, v36, v35;
	v23 =	vsel vm12, v38, v37  }
0xad: {  	v10 =	vshrl.u32 v11, $0x10;
	v12 =	vand.u32 $0xFFFF, v11;
	v11 =	vshrl.u32 v13, $0x10  }
0xae: {  	v13 =	vand.u32 $0xFFFF, v13;
	v14 =	vshrl.u32 v15, $0x10;
	v16 =	vand.u32 $0xFFFF, v15  }
0xaf: {  	v17 =	vshrl.u32 v19, $0x10;
	v20 =	vand.u32 $0xFFFF, v19;
	v15 =	vshrl.u32 v18, $0x10  }
0xb0: {  	s23 =	simm.s32 $0x200;
	s22 =	simm.s32 $0x0;
	v18 =	vand.u32 $0xFFFF, v18;
	v19 =	vshrl.u32 v21, $0x10;
	v21 =	vand.u32 $0xFFFF, v21  }
.LBB2_4:
0xb1: {  	s25 =	sshra.s32 s23, $0x2;
	s22 =	sadd.s32 $0x8, s22;
	v1 =	vsel vm8, v4, v1;
	v0 =	vsel vm9, v7, v0;
	v3 =	vsel vm10, v6, v3  }
0xb2: {  	v6 =	vsel vm0, v9, v8;
	v7 =	vsel vm1, v12, v10;
	v2 =	vsel vm7, v5, v2;
	v4 =	vld [tilespmem:s25+$0x4070];
	p0 =	slt.u32 s22, $0x3F8  }
0xb3: {  	v8 =	vsel vm2, v13, v11;
	v9 =	vsel vm3, v16, v14;
	v10 =	vsel vm6, v20, v17;
	v5 =	vld [tilespmem:s25+$0x4000]  }
0xb4: {  	v12 =	vsel vm4, v18, v15;
	v13 =	vsel vm5, v21, v19;
	v6 =	vor.u32 v6, v24;
	v11 =	vld [tilespmem:s25+$0x4010]  }
0xb5: {  	v1 =	vor.u32 v9, v1;
	v14 =	vld [tilespmem:s25+$0x4020];
	[tilespmem:s20+$0x14000] =	vst v6;
	v6 =	vor.u32 v7, v23;
	v7 =	vor.u32 v8, v22  }
0xb6: {  	s21 =	sadd.s32 $0x1, s21;
	v0 =	vor.u32 v10, v0;
	v3 =	vor.u32 v12, v3;
	v2 =	vor.u32 v13, v2;
	v8 =	vld [tilespmem:s25+$0x4030];
	[tilespmem:s20+$0x14010] =	vst v6  }
0xb7: {  	s24 =	sshll.u32 s21, $0x7;
	v6 =	vld [tilespmem:s25+$0x4040];
	v9 =	vshrl.u32 v4, $0x8;
	v10 =	vand.u32 $0x7F, v4;
	[tilespmem:s20+$0x14020] =	vst v7  }
0xb8: {  	v7 =	vshrl.u32 v5, $0x8;
	v12 =	vld [tilespmem:s25+$0x4050];
	v10 =	vor.u32 s24, v10;
	v9 =	vand.u32 $0x7F, v9;
	[tilespmem:s20+$0x14030] =	vst v1  }
0xb9: {  	v1 =	vand.u32 $0x7F, v7;
	v7 =	vshrl.u32 v11, $0x8;
	v13 =	vld [tilespmem:s25+$0x4060];
	v9 =	vor.u32 s24, v9;
	[tilespmem:s20+$0x14040] =	vst v0  }
0xba: {  	v0 =	vand.u32 $0x7F, v5;
	v7 =	vand.u32 $0x7F, v7;
	v15 =	vshrl.u32 v14, $0x8;
	[tilespmem:s20+$0x14050] =	vst v3  }
0xbb: {  	v3 =	vand.u32 $0x7F, v11;
	v15 =	vand.u32 $0x7F, v15;
	v16 =	vshrl.u32 v8, $0x8;
	[tilespmem:s20+$0x14060] =	vst v2;
	s20 =	smov.u32 s25  }
0xbc: {  	v2 =	vand.u32 $0x7F, v14;
	v16 =	vand.u32 $0x7F, v16;
	v17 =	vshrl.u32 v6, $0x8  }
0xbd: {  	v18 =	vand.u32 $0x7F, v8;
	v17 =	vand.u32 $0x7F, v17;
	v19 =	vshrl.u32 v12, $0x8;
	v10 =	vld.idx.msk [tilespmem:v10+s12+$0x0], $0xffff  }
0xbe: {  	v20 =	vand.u32 $0x7F, v6;
	v19 =	vand.u32 $0x7F, v19;
	v21 =	vshrl.u32 v13, $0x8;
	v9 =	vld.idx.msk [tilespmem:v9+s12+$0x0], $0xffff  }
0xbf: {  	v22 =	vand.u32 $0x7F, v12;
	v23 =	vand.u32 $0x7F, v13;
	v21 =	vand.u32 $0x7F, v21  }
0xc0: {  	v1 =	vor.u32 s24, v1;
	v7 =	vor.u32 s24, v7;
	v15 =	vor.u32 s24, v15  }
0xc1: {  	v16 =	vor.u32 s24, v16;
	v17 =	vor.u32 s24, v17;
	v19 =	vor.u32 s24, v19  }
0xc2: {  	v24 =	vand.u32 $0x80, v4;
	v4 =	vand.u32 $0x8000, v4;
	v21 =	vor.u32 s24, v21  }
0xc3: {  	vm0 =	veq.s32 v24, $0x0;
	vm1 =	veq.s32 v4, $0x0;
	v24 =	vshrl.u32 v10, $0x10  }
0xc4: {  	v4 =	vand.u32 $0xFFFF, v10;
	v10 =	vand.u32 $0xFFFF0000, v9;
	v9 =	vshll.u32 v9, $0x10  }
0xc5: {  	v0 =	vor.u32 s24, v0;
	v4 =	vsel vm0, v4, v24;
	v9 =	vsel vm1, v9, v10;
	v1 =	vld.idx.msk [tilespmem:v1+s12+$0x0], $0xffff  }
0xc6: {  	v3 =	vor.u32 s24, v3;
	v2 =	vor.u32 s24, v2;
	v4 =	vor.u32 v4, v9;
	v7 =	vld.idx.msk [tilespmem:v7+s12+$0x0], $0xffff  }
0xc7: {  	v10 =	vor.u32 s24, v18;
	v18 =	vor.u32 s24, v22;
	v9 =	vld.idx.msk [tilespmem:v15+s12+$0x0], $0xffff;
	v15 =	vor.u32 s24, v20;
	[tilespmem:s20+$0x14070] =	vst v4  }
0xc8: {  	v22 =	vand.u32 $0x8000, v5;
	v20 =	vand.u32 $0x80, v5;
	v4 =	vld.idx.msk [tilespmem:v16+s12+$0x0], $0xffff;
	v16 =	vor.u32 s24, v23  }
0xc9: {  	v24 =	vand.u32 $0x80, v14;
	v23 =	vand.u32 $0x80, v11;
	v11 =	vand.u32 $0x8000, v11;
	v5 =	vld.idx.msk [tilespmem:v17+s12+$0x0], $0xffff  }
0xca: {  	v25 =	vand.u32 $0x80, v8;
	v26 =	vand.u32 $0x8000, v8;
	v17 =	vand.u32 $0x8000, v14;
	v8 =	vld.idx.msk [tilespmem:v19+s12+$0x0], $0xffff  }
0xcb: {  	v27 =	vand.u32 $0x80, v6;
	v28 =	vand.u32 $0x8000, v6;
	v29 =	vand.u32 $0x80, v12;
	v14 =	vld.idx.msk [tilespmem:v21+s12+$0x0], $0xffff  }
0xcc: {  	v30 =	vand.u32 $0x8000, v12;
	v31 =	vand.u32 $0x80, v13;
	v32 =	vand.u32 $0x8000, v13;
	v19 =	vld.idx.msk [tilespmem:v0+s12+$0x0], $0xffff  }
0xcd: {  	v33 =	vand.u32 $0xFFFF0000, v1;
	v34 =	vshll.u32 v1, $0x10;
	v35 =	vand.u32 $0xFFFF0000, v7;
	v12 =	vld.idx.msk [tilespmem:v3+s12+$0x0], $0xffff  }
0xce: {  	v36 =	vshll.u32 v7, $0x10;
	v37 =	vand.u32 $0xFFFF0000, v9;
	v38 =	vshll.u32 v9, $0x10;
	v13 =	vld.idx.msk [tilespmem:v2+s12+$0x0], $0xffff  }
0xcf: {  	v1 =	vand.u32 $0xFFFF0000, v4;
	v4 =	vshll.u32 v4, $0x10;
	v0 =	vand.u32 $0xFFFF0000, v5;
	v21 =	vld.idx.msk [tilespmem:v10+s12+$0x0], $0xffff  }
0xd0: {  	v7 =	vshll.u32 v5, $0x10;
	v3 =	vand.u32 $0xFFFF0000, v8;
	v6 =	vshll.u32 v8, $0x10;
	v15 =	vld.idx.msk [tilespmem:v15+s12+$0x0], $0xffff  }
0xd1: {  	vm0 =	veq.s32 v20, $0x0;
	v2 =	vand.u32 $0xFFFF0000, v14;
	v5 =	vshll.u32 v14, $0x10;
	v18 =	vld.idx.msk [tilespmem:v18+s12+$0x0], $0xffff  }
0xd2: {  	vm11 =	veq.s32 v22, $0x0;
	v8 =	vshrl.u32 v19, $0x10;
	v9 =	vand.u32 $0xFFFF, v19;
	v22 =	vld.idx.msk [tilespmem:v16+s12+$0x0], $0xffff  }
0xd3: {  	vm1 =	veq.s32 v23, $0x0;
	v10 =	vshrl.u32 v12, $0x10;
	v12 =	vand.u32 $0xFFFF, v12  }
0xd4: {  	vm12 =	veq.s32 v11, $0x0;
	v11 =	vshrl.u32 v13, $0x10;
	v13 =	vand.u32 $0xFFFF, v13  }
0xd5: {  	vm2 =	veq.s32 v24, $0x0;
	v14 =	vshrl.u32 v21, $0x10;
	v16 =	vand.u32 $0xFFFF, v21  }
0xd6: {  	vm13 =	veq.s32 v17, $0x0;
	v17 =	vshrl.u32 v15, $0x10;
	v20 =	vand.u32 $0xFFFF, v15  }
.Ltmp1:
0xd7: {  	vm3 =	veq.s32 v25, $0x0;
	v15 =	vshrl.u32 v18, $0x10;
	v18 =	vand.u32 $0xFFFF, v18;
	(pc) =	sbr.rel @p0 .LBB2_4-.Ltmp1, $4  }
0xd8: {  	vm8 =	veq.s32 v26, $0x0;
	v19 =	vshrl.u32 v22, $0x10;
	v21 =	vand.u32 $0xFFFF, v22  }
0xd9: {  	vm6 =	veq.s32 v27, $0x0;
	vm9 =	veq.s32 v28, $0x0;
	vm4 =	veq.s32 v29, $0x0  }
0xda: {  	vm10 =	veq.s32 v30, $0x0;
	vm5 =	veq.s32 v31, $0x0;
	vm7 =	veq.s32 v32, $0x0  }
0xdb: {  	s23 =	sadd.s32 $0x200, s23;
	v24 =	vsel vm11, v34, v33;
	v23 =	vsel vm12, v36, v35;
	v22 =	vsel vm13, v38, v37  }
0xdc: {  	v8 =	vsel vm0, v9, v8  }
0xdd: {  	v54 =	vsel vm1, v12, v10;
	v8 =	vor.u32 v8, v24  }
0xde: {  	v55 =	vsel vm2, v13, v11;
	v56 =	vor.u32 v54, v23;
	[tilespmem:s20+$0x14000] =	vst v8  }
0xdf: {  	v1 =	vsel vm8, v4, v1;
	v57 =	vsel vm3, v16, v14;
	v58 =	vor.u32 v55, v22;
	[tilespmem:s20+$0x14010] =	vst v56  }
0xe0: {  	v0 =	vsel vm9, v7, v0;
	v59 =	vsel vm6, v20, v17;
	v1 =	vor.u32 v57, v1;
	[tilespmem:s20+$0x14020] =	vst v58  }
0xe1: {  	v3 =	vsel vm10, v6, v3;
	v60 =	vsel vm4, v18, v15;
	v0 =	vor.u32 v59, v0;
	[tilespmem:s20+$0x14030] =	vst v1  }
0xe2: {  	v61 =	vsel vm7, v5, v2;
	v62 =	vsel vm5, v21, v19;
	v3 =	vor.u32 v60, v3;
	[tilespmem:s20+$0x14040] =	vst v0  }
0xe3: {  	v63 =	vor.u32 v62, v61;
	[tilespmem:s20+$0x14050] =	vst v3  }
0xe4: {  	s19 =	sadd.s32 $0x1, s19;
	[tilespmem:s20+$0x14060] =	vst v63  }
0xe5: {  	[hbm4b:s8+s1] =	stream.linear.scatter [tilespmem:s16], [sflag:$0x4], $0x4000, $0x38;
	[tilespmem:$0x18000] =	vst v63  }
0xe6: {  	p0 =	sne.s32 s19, s9;
	_ =	swait.ge [sflag:s17], $0x4000  }
.Ltmp2:
0xe7: {  	[sflag:s17] =	ssyncset.done $0x0;
	(pc) =	sbr.rel @p0 .LBB2_1-.Ltmp2, $4  }
0xe8: {  	[sflag:s17] =	ssyncadd.s32 $0xFFFFC000  }
0xe9: {  	_ =	swait.ge [sflag:s18], $0x4000  }
0xea: {  	[sflag:s18] =	ssyncset.done $0x0  }
0xeb: {  	[sflag:s18] =	ssyncadd.s32 $0xFFFFC000  }
0xec: {  	_ =	sfence.sel $0x180000  }
0xed: {  	[bflag:$0x0] =	sbarrier.arrive $0xFFFF  }
0xee: {  	p0 =	sne.s32 s2, $0x0;
	_ =	strace $0x9000004A  }
0xef: {  	s0 =	sadd.s32 @!p0 $0x100000, s0;
	[bflag:$0x2] =	sbarrier.arrive $0xFFFF  }
0xf0: {  	[sflag:s0] =	ssyncadd.tile.s32 @!p0 $0x1;
	_ =	shalt  }
.Lfunc_end2:
_tile_overlayer_lowered:
.L_overlay_start_2:
0xf1: {  	(tag) =	ssettag $0x2  }
0xf2: {  	s0 =	rddreg [dreg:$0x0];
	s2 =	stileid.u32  }
0xf3: {  	s1 =	rddreg [dreg:$0x1];
	p0 =	sne.s32 s2, $0x0  }
0xf4: {  	s3 =	rddreg [dreg:$0x2];
	[bflag:$0x3] =	sbarrier.arrive $0xFFFF;
	s2 =	simm.s32 @!p0 $0x1C05  }
0xf5: {  	[timem:s3], [sflag:s2] =	dma.local @!p0 [hbm:s0], s1  }
0xf6: {  	s0 =	simm.s32 @!p0 $0x5  }
0xf7: {  	_ =	swait.ge @!p0 [sflag:s0], s1  }
0xf8: {  	s1 =	ssub.s32 @!p0 $0x0, s1;
	[sflag:s0] =	ssyncset.done @!p0 $0x0  }
0xf9: {  	[sflag:s0] =	ssyncadd.s32 @!p0 s1  }
0xfa: {  	[bflag:$0x3] =	sbarrier.arrive $0xFFFF  }
0xfb: {  	_ =	shalt  }

// kernel: kernel.8.cloned.1.call-start
scs
__scs_entry_jumppad:
0x0: {  	(pc) =	sbr.rel $0x88, $3  }
0x1: {  	(tag) =	ssettag $0x0;
	lr =	simm.s32 $0x1  }
0x2: {  	[smem:$0x3F9E] =	sst lr;
	_ =	strace $0xD0000000  }
0x3: {  	_ = 	snop  }
0x4: {  	_ = 	snop  }
0x5: {  	_ = 	snop  }
0x6: {  	_ = 	snop  }
0x7: {  	_ = 	snop  }
__scs_overlays_trampoline_lowered:
0x8: {  	[smem:$0x3FAD] =	sst s0  }
0x9: {  	[smem:$0x3FAE] =	sst s1  }
0xa: {  	[smem:$0x3FAF] =	sst s2  }
0xb: {  	[smem:$0x3FB0] =	sst s3  }
0xc: {  	[smem:$0x3FB1] =	sst s4  }
0xd: {  	[smem:$0x3FB2] =	sst s5  }
0xe: {  	[smem:$0x3FB3] =	sst s6  }
0xf: {  	[smem:$0x3FB4] =	sst s7  }
0x10: {  	[smem:$0x3FB5] =	sst s8  }
0x11: {  	[smem:$0x3FB6] =	sst s9;
	s0 =	simm.s32 @!p0 $0x0  }
0x12: {  	s1 =	sld [smem:$0x3F9C];
	s0 =	simm.s32 @p0 $0x1  }
0x13: {  	[smem:$0x3FB7] =	sst s0;
	s0 =	simm.s32 @!p1 $0x0  }
0x14: {  	s2 =	sld [smem:$0x3F9B];
	s0 =	simm.s32 @p1 $0x1  }
0x15: {  	[smem:$0x3FB8] =	sst s0;
	s0 =	simm.s32 @!p2 $0x0  }
0x16: {  	s3 =	sld [smem:$0x3FDB];
	s0 =	simm.s32 @p2 $0x1  }
0x17: {  	s4 =	simm.s32 $0x1BF5;
	[smem:$0x3FBA] =	sst s0  }
0x18: {  	s0 =	sld [smem:$0x3F9D];
	_ =	swait.ge [sflag:s4], $0x0  }
0x19: {  	s7 =	sld [smem:$0x3F9E]  }
0x1a: {  	s8 =	sadd.s32 $0xFFFFE003, lr  }
0x1b: {  	s9 =	sadd.s32 $0xFFFFFEF7, lr;
	s5 =	simm.s32 $0xFFFFFFFF;
	p2 =	slt.u32 s8, $0xFFFFF086  }
0x1c: {  	p1 =	slt.u32 s9, $0xF7A;
	s5 =	simm.s32 @!p2 $0x0  }
0x1d: {  	s5 =	simm.s32 @p1 $0x1;
	p0 =	seq.s32 s7, s2  }
0x1e: {  	s7 =	smul.u32 @!p0 $0xF7A, s2;
	p2 =	seq.s32 @!p0 s5, $0x0  }
0x1f: {  	s9 =	smul.u32 $0xF7A, s1;
	s8 =	simm.s32 @!p0 $0x1BF5;
	p2 =	por !p2, p0  }
0x20: {  	[sflag:s8] =	ssyncset.s32 @!p0 $0xFFFFF086;
	s6 =	sadd.s32 @!p0 s3, s7;
	s7 =	simm.s32 @!p0 $0x108  }
0x21: {  	s3 =	sadd.s32 s3, s9;
	s6 =	sadd.s32 @!p0 $0x88, s6;
	s7 =	simm.s32 @p2 $0x1082  }
0x22: {  	[simem:s7], [sflag:s8] =	dma.local @!p0 [hbm:s6], $0xF7A  }
0x23: {  	s9 =	sor.u32 $0xD0000000, s2;
	s6 =	simm.s32 $0x108;
	_ =	swait.ge @!p0 [sflag:s8], $0x0  }
0x24: {  	s3 =	sadd.s32 $0x88, s3;
	s6 =	simm.s32 @!p1 $0x1082;
	[sflag:s4] =	ssyncset.s32 $0xFFFFF086  }
0x25: {  	[simem:s6], [sflag:s4] =	dma.local [hbm:s3], $0xF7A  }
0x26: {  	[smem:$0x3F9E] =	sst s1;
	(tag) =	ssettag s2;
	_ =	strace s9  }
0x27: {  	s1 =	sld [smem:$0x3FAE]  }
0x28: {  	s2 =	sld [smem:$0x3FAF]  }
0x29: {  	s4 =	sld [smem:$0x3FB1]  }
0x2a: {  	p0 =	seq.s32 s5, $0x0;
	s5 =	sld [smem:$0x3FB2]  }
0x2b: {  	s6 =	sld [smem:$0x3FB3]  }
0x2c: {  	s7 =	sld [smem:$0x3FB4]  }
0x2d: {  	s3 =	simm.s32 $0x108;
	s8 =	sld [smem:$0x3FB5]  }
0x2e: {  	s3 =	simm.s32 @!p0 $0x1082;
	s9 =	sld [smem:$0x3FB6]  }
0x2f: {  	lr =	sadd.s32 s0, s3;
	s0 =	sld [smem:$0x3FAD]  }
0x30: {  	s3 =	sld [smem:$0x3FB0]  }
0x31: {  	[smem:$0x3FB9] =	sst s10  }
0x32: {  	s10 =	sld [smem:$0x3FB7];
	_ =	sdelay $0x3  }
0x33: {  	p0 =	seq.s32 s10, $0x1;
	s10 =	sld [smem:$0x3FB9];
	_ =	sdelay $0x3  }
0x34: {  	[smem:$0x3FB9] =	sst s10  }
0x35: {  	s10 =	sld [smem:$0x3FB8];
	_ =	sdelay $0x3  }
0x36: {  	p1 =	seq.s32 s10, $0x1;
	s10 =	sld [smem:$0x3FB9];
	_ =	sdelay $0x3  }
0x37: {  	[smem:$0x3FB9] =	sst s10  }
0x38: {  	s10 =	sld [smem:$0x3FBA]  }
0x39: {  	_ = 	snop;
	(pc) =	sbr.ind lr, $3  }
0x3a: {  	_ = 	snop  }
0x3b: {  	_ = 	snop  }
0x3c: {  	p2 =	seq.s32 s10, $0x1;
	s10 =	sld [smem:$0x3FB9]  }
0x3d: {  	_ =	shalt  }
0x3e: {  	_ =	shalt  }
0x3f: {  	_ =	shalt  }
0x40: {  	_ =	shalt  }
0x41: {  	_ =	shalt  }
0x42: {  	_ =	shalt  }
0x43: {  	_ =	shalt  }
0x44: {  	_ =	shalt  }
0x45: {  	_ =	shalt  }
0x46: {  	_ =	shalt  }
0x47: {  	_ =	shalt  }
0x48: {  	_ =	shalt  }
0x49: {  	_ =	shalt  }
0x4a: {  	_ =	shalt  }
0x4b: {  	_ =	shalt  }
0x4c: {  	_ =	shalt  }
0x4d: {  	_ =	shalt  }
0x4e: {  	_ =	shalt  }
0x4f: {  	_ =	shalt  }
0x50: {  	_ =	shalt  }
0x51: {  	_ =	shalt  }
0x52: {  	_ =	shalt  }
0x53: {  	_ =	shalt  }
0x54: {  	_ =	shalt  }
0x55: {  	_ =	shalt  }
0x56: {  	_ =	shalt  }
0x57: {  	_ =	shalt  }
0x58: {  	_ =	shalt  }
0x59: {  	_ =	shalt  }
0x5a: {  	_ =	shalt  }
0x5b: {  	_ =	shalt  }
0x5c: {  	_ =	shalt  }
0x5d: {  	_ =	shalt  }
0x5e: {  	_ =	shalt  }
0x5f: {  	_ =	shalt  }
0x60: {  	_ =	shalt  }
0x61: {  	_ =	shalt  }
0x62: {  	_ =	shalt  }
0x63: {  	_ =	shalt  }
0x64: {  	_ =	shalt  }
0x65: {  	_ =	shalt  }
0x66: {  	_ =	shalt  }
0x67: {  	_ =	shalt  }
0x68: {  	_ =	shalt  }
0x69: {  	_ =	shalt  }
0x6a: {  	_ =	shalt  }
0x6b: {  	_ =	shalt  }
0x6c: {  	_ =	shalt  }
0x6d: {  	_ =	shalt  }
0x6e: {  	_ =	shalt  }
0x6f: {  	_ =	shalt  }
0x70: {  	_ =	shalt  }
0x71: {  	_ =	shalt  }
0x72: {  	_ =	shalt  }
0x73: {  	_ =	shalt  }
0x74: {  	_ =	shalt  }
0x75: {  	_ =	shalt  }
0x76: {  	_ =	shalt  }
0x77: {  	_ =	shalt  }
0x78: {  	_ =	shalt  }
0x79: {  	_ =	shalt  }
0x7a: {  	_ =	shalt  }
0x7b: {  	_ =	shalt  }
0x7c: {  	_ =	shalt  }
0x7d: {  	_ =	shalt  }
0x7e: {  	_ =	shalt  }
0x7f: {  	_ =	shalt  }
0x80: {  	_ =	shalt  }
0x81: {  	_ =	shalt  }
0x82: {  	_ =	shalt  }
0x83: {  	_ =	shalt  }
0x84: {  	_ =	shalt  }
0x85: {  	_ =	shalt  }
0x86: {  	_ =	shalt  }
0x87: {  	_ =	shalt  }
.Lfunc_end0:
.L_simem_size_0:
called_computation_lowered:
.L_overlay_start_0:
0x88: {  	s2 =	sld [smem:$0x3FD9]  }
0x89: {  	s3 =	sld [smem:$0x3FFE];
	_ =	sdelay $0x1  }
0x8a: {  	s1 =	srdreg.scid  }
0x8b: {  	s0 =	sand.u32 $0x1, s1  }
0x8c: {  	s17 =	sshll.u32 s0, $0xA;
	s2 =	sadd.s32 s3, s2  }
0x8d: {  	s2 =	sadd.s32 s2, s17  }
0x8e: {  	[smem:$0x3FC5] =	sst s2  }
0x8f: {  	_ = 	snop  }
0x90: {  	s2 =	sld [smem:$0x3FD0];
	(tm) =	ssettm $0x1  }
0x91: {  	s18 =	sld [smem:$0x3FFB];
	_ =	sdelay $0x3  }
0x92: {  	_ =	strace s18  }
0x93: {  	s3 =	sld [smem:$0x3FFC];
	_ =	sdelay $0x3  }
0x94: {  	_ =	strace s3  }
0x95: {  	s3 =	sld [smem:$0x3FFD];
	_ =	sdelay $0x3  }
0x96: {  	_ =	strace s3  }
0x97: {  	_ =	strace $0x8FFFFFFF  }
0x98: {  	s19 =	sld [smem:$0x3FDB];
	_ =	sdelay $0x1  }
0x99: {  	s4 =	simm.s32 $_scs_section_size  }
0x9a: {  	s5 =	simm.s32 $_size__tile_overlayer_lowered;
	s6 =	simm.s32 $_tile_overlayer_lowered  }
0x9b: {  	s22 =	simm.s32 $0x1BFF;
	s21 =	sshll.u32 s6, $0x1;
	s3 =	sadd.s32 s4, s19  }
0x9c: {  	s7 =	simm.s32 $0x0;
	s20 =	sshll.u32 s5, $0x1;
	s5 =	sadd.s32 s21, s3  }
0x9d: {  	[timem:s7], [sflag:s22] =	dma.local [hbm:s5], s20  }
0x9e: {  	_ =	swait.ge [sflag:s22], s20  }
0x9f: {  	s4 =	ssub.s32 $0x0, s20;
	[sflag:s22] =	ssyncset.done $0x0  }
0xa0: {  	[sflag:s22] =	ssyncadd.s32 s4;
	_ =	sdelay $0x1  }
0xa1: {  	s23 =	simm.s32 $0x1B8B  }
0xa2: {  	_ =	swait.ge [sflag:s23], $0x1  }
0xa3: {  	[sflag:s23] =	ssyncset.done $0x0  }
0xa4: {  	s25 =	simm.s32 $0x1B8E;
	s24 =	sld [smem:$0x3FFE];
	[sflag:s23] =	ssyncadd.s32 $0xFFFFFFFF  }
0xa5: {  	s26 =	simm.s32 $execute0_lowered;
	[smem:$0x3FD2] =	sst s25  }
0xa6: {  	s5 =	sshll.u32 s26, $0x1;
	_ =	strace $0x80000046;
	[dreg:$0x1] =	wrdreg $0xFFFFFFFF  }
0xa7: {  	s28 =	simm.s32 $_size_execute0_lowered;
	s3 =	sadd.s32 s3, s5;
	[dreg:$0x0] =	wrdreg $0x0  }
0xa8: {  	s5 =	sshll.u32 s28, $0x1;
	[dreg:$0x2] =	wrdreg s3  }
0xa9: {  	[dreg:$0x3] =	wrdreg s5  }
0xaa: {  	[dreg:$0x4] =	wrdreg $0xC0  }
0xab: {  	_ =	task [dreg:s7], $0x5FFFF  }
0xac: {  	[dreg:$0x1] =	wrdreg $0xFFFFFFFF  }
0xad: {  	[dreg:$0x0] =	wrdreg $0x60  }
0xae: {  	[dreg:$0x2] =	wrdreg s2  }
0xaf: {  	[dreg:$0x3] =	wrdreg s24  }
0xb0: {  	[dreg:$0x4] =	wrdreg $0x9  }
0xb1: {  	_ =	task.clear_ibuf [dreg:s7], $0x5FFFF;
	_ =	strace $0x90000046  }
0xb2: {  	s29 =	simm.s32 $0x9;
	_ =	strace $0x80000048  }
0xb3: {  	_ =	swait.ge [sflag:s29], $0x1  }
0xb4: {  	[sflag:s29] =	ssyncadd.s32 $0xFFFFFFFF  }
0xb5: {  	_ =	strace $0x90000048  }
0xb6: {  	_ =	sfence  }
0xb7: {  	s30 =	sld [smem:$0x0];
	_ =	sdelay $0x2  }
0xb8: {  	s31 =	sshll.u32 s1, $0xD;
	s1 =	sshrl.u32 s1, $0x2  }
0xb9: {  	s3 =	sand.u32 $0x4000, s31;
	s1 =	sadd.s32 s1, s30  }
0xba: {  	s0 =	sor.u32 s3, s0;
	s1 =	sshll.u32 s1, $0x11  }
0xbb: {  	s0 =	sor.u32 s1, s0  }
0xbc: {  	s0 =	sadd.s32 $0x8F2B, s0  }
0xbd: {  	[sflag:s0] =	ssyncadd.remote.s32 $0x1  }
0xbe: {  	_ =	sfence.sel $0xFFFF  }
0xbf: {  	[dreg:$0x0] =	wrdreg $0xFFFFFFFF;
	(pc) =	sbr.abs _section_cstart, $3  }
0xc0: {  	[dreg:$0x1] =	wrdreg $0xFFFFFFFF  }
0xc1: {  	_ =	task.clear_ibuf [dreg:s7], $0x2FFFF;
	_ =	strace $0x9FFFFFFF  }
0xc2: {  	(tm) =	ssettm $0x7FFFFFFF  }
0xc3: {  	_ =	shalt  }
tec
execute0_lowered:
.L_overlay_start_1:
0x0: {  	(tag) =	ssettag $0x1  }
0x1: {  	s5 =	rddreg [dreg:$0x0]  }
0x2: {  	s3 =	rddreg [dreg:$0x1]  }
0x3: {  	s0 =	rddreg [dreg:$0x2];
	s1 =	simm.s32 $0x0;
	s2 =	srdreg.scid  }
0x4: {  	s12 =	simm.s32 $0xC000;
	s13 =	simm.s32 $0x1;
	s14 =	simm.s32 $0x10000  }
0x5: {  	s15 =	simm.s32 $0x2;
	s16 =	simm.s32 $0x14000;
	s17 =	simm.s32 $0x3  }
0x6: {  	s18 =	simm.s32 $0x4;
	s19 =	simm.s32 $0x0;
	[smem:$0x7FF] =	sst s1  }
0x7: {  	s4 =	sand.u32 $0x1, s2;
	s6 =	sadd.s32 $0x1E00, s3;
	s2 =	stileid.u32  }
0x8: {  	s7 =	ssub.s32 $0x2, s4;
	s9 =	sshll.u32 s2, $0xD;
	s4 =	sshll.u32 s4, $0xC  }
0x9: {  	s10 =	sadd.s32 $0x21E00, s3;
	s8 =	sshrl.u32 s7, $0x1;
	s30 =	sor.u32 s4, s9  }
0xa: {  	_ =	strace $0x80000047;
	s11 =	ssub.s32 s7, s8;
	s3 =	sadd.s32 s5, s30  }
0xb: {  	s4 =	sadd.s32 s6, s30;
	s31 =	sor.u32 $0x800, s30;
	s7 =	sadd.s32 s10, s30  }
0xc: {  	s5 =	sadd.s32 s5, s31;
	s6 =	sadd.s32 s6, s31;
	s8 =	sadd.s32 s10, s31  }
0xd: {  	s9 =	smax.u32 s11, $0x1;
	s10 =	simm.s32 $0x8000;
	s11 =	simm.s32 $0x4000  }
.LBB2_1:
0xe: {  	[tilespmem:s1], [sflag:$0x1] =	stream.linear.gather [hbm4b:s3+s1], $0x4000, $0x38;
	[tilespmem:$0x18000] =	vst v63  }
0xf: {  	_ = 	snop  }
0x10: {  	[tilespmem:s10], [sflag:$0x1] =	stream.linear.gather [hbm4b:s4+s1], $0x4000, $0x38;
	[tilespmem:$0x18000] =	vst v63  }
0x11: {  	_ = 	snop  }
0x12: {  	[tilespmem:s11], [sflag:$0x2] =	stream.linear.gather [hbm4b:s5+s1], $0x4000, $0x38;
	[tilespmem:$0x18000] =	vst v63  }
0x13: {  	_ = 	snop  }
0x14: {  	[tilespmem:s12], [sflag:$0x2] =	stream.linear.gather [hbm4b:s6+s1], $0x4000, $0x38;
	[tilespmem:$0x18000] =	vst v63  }
0x15: {  	_ =	swait.ge [sflag:s13], $0x4000  }
0x16: {  	[sflag:s13] =	ssyncset.done $0x0  }
0x17: {  	[sflag:s13] =	ssyncadd.s32 $0xFFFFC000  }
0x18: {  	_ =	swait.ge [sflag:s13], $0x4000  }
0x19: {  	[sflag:s13] =	ssyncset.done $0x0  }
0x1a: {  	s20 =	simm.s32 $0x40;
	[sflag:s13] =	ssyncadd.s32 $0xFFFFC000  }
0x1b: {  	v0 =	vld [tilespmem:s20+$0x30]  }
0x1c: {  	v1 =	vld [tilespmem:s20+$0xFFFFFFD0]  }
0x1d: {  	v2 =	vld [tilespmem:s20+$0xFFFFFFE0]  }
0x1e: {  	v3 =	vld [tilespmem:s20+$0xFFFFFFF0]  }
0x1f: {  	v4 =	vld [tilespmem:s20+$0x0]  }
0x20: {  	v5 =	vld [tilespmem:s20+$0x10]  }
0x21: {  	v9 =	vld [tilespmem:s20+$0x20]  }
0x22: {  	v10 =	vld [tilespmem:s20+$0xFFFFFFC0]  }
0x23: {  	v6 =	vshrl.u32 v0, $0x8;
	v7 =	vand.u32 $0x7F, v0  }
0x24: {  	v8 =	vshrl.u32 v1, $0x8;
	v11 =	vshrl.u32 v2, $0x8;
	v12 =	vand.u32 $0x7F, v1  }
0x25: {  	v13 =	vshrl.u32 v3, $0x8;
	v14 =	vand.u32 $0x7F, v2;
	v15 =	vshrl.u32 v4, $0x8  }
0x26: {  	v16 =	vand.u32 $0x7F, v3;
	v17 =	vshrl.u32 v5, $0x8;
	v18 =	vand.u32 $0x7F, v4  }
0x27: {  	v19 =	vshrl.u32 v9, $0x8;
	v20 =	vshrl.u32 v10, $0x8;
	v21 =	vand.u32 $0x7F, v10  }
0x28: {  	v22 =	vand.u32 $0x7F, v5;
	v23 =	vand.u32 $0x7F, v9;
	v24 =	vand.u32 $0x80, v0  }
0x29: {  	v0 =	vand.u32 $0x8000, v0;
	v25 =	vand.u32 $0x80, v2;
	v26 =	vand.u32 $0x80, v3  }
0x2a: {  	s21 =	simm.s32 $0x0;
	v27 =	vand.u32 $0x8000, v3;
	v28 =	vand.u32 $0x8000, v4;
	v29 =	vand.u32 $0x80, v5  }
0x2b: {  	v30 =	vand.u32 $0x80, v9;
	v7 =	vor.u32 s21, v7;
	v6 =	vand.u32 $0x7F, v6  }
0x2c: {  	v31 =	vand.u32 $0x8000, v9;
	v11 =	vand.u32 $0x7F, v11;
	v6 =	vor.u32 s21, v6  }
0x2d: {  	v8 =	vand.u32 $0x7F, v8;
	v13 =	vand.u32 $0x7F, v13;
	v11 =	vor.u32 s21, v11  }
0x2e: {  	v15 =	vand.u32 $0x7F, v15;
	v19 =	vand.u32 $0x7F, v19;
	v13 =	vor.u32 s21, v13  }
0x2f: {  	v17 =	vand.u32 $0x7F, v17;
	v20 =	vand.u32 $0x7F, v20;
	v19 =	vor.u32 s21, v19  }
0x30: {  	vm0 =	veq.s32 v24, $0x0;
	vm1 =	veq.s32 v0, $0x0;
	v21 =	vor.u32 s21, v21;
	v7 =	vld.idx.msk [tilespmem:v7+s10+$0x0], $0xffff  }
0x31: {  	v12 =	vor.u32 s21, v12;
	v14 =	vor.u32 s21, v14;
	vm2 =	veq.s32 v25, $0x0;
	v6 =	vld.idx.msk [tilespmem:v6+s10+$0x0], $0xffff  }
0x32: {  	vm3 =	veq.s32 v26, $0x0;
	vm10 =	veq.s32 v27, $0x0;
	vm11 =	veq.s32 v28, $0x0;
	v11 =	vld.idx.msk [tilespmem:v11+s10+$0x0], $0xffff  }
0x33: {  	vm5 =	veq.s32 v30, $0x0;
	vm7 =	veq.s32 v31, $0x0;
	v20 =	vor.u32 s21, v20;
	v13 =	vld.idx.msk [tilespmem:v13+s10+$0x0], $0xffff  }
0x34: {  	v8 =	vor.u32 s21, v8;
	v15 =	vor.u32 s21, v15;
	v3 =	vld.idx.msk [tilespmem:v19+s10+$0x0], $0xffff;
	v19 =	vand.u32 $0x8000, v5  }
0x35: {  	v17 =	vor.u32 s21, v17;
	vm12 =	veq.s32 v19, $0x0;
	v63 =	vshrl.u32 v7, $0x10  }
0x36: {  	v0 =	vand.u32 $0xFFFF, v7;
	v7 =	vand.u32 $0xFFFF0000, v6;
	v6 =	vshll.u32 v6, $0x10  }
0x37: {  	v0 =	vsel vm0, v0, v63;
	v35 =	vand.u32 $0xFFFF0000, v11;
	v36 =	vshll.u32 v11, $0x10  }
0x38: {  	v37 =	vand.u32 $0xFFFF0000, v13;
	v38 =	vshll.u32 v13, $0x10;
	v6 =	vsel vm1, v6, v7  }
0x39: {  	v7 =	vld.idx.msk [tilespmem:v20+s10+$0x0], $0xffff;
	v20 =	vor.u32 s21, v23;
	v23 =	vand.u32 $0x8000, v1;
	v24 =	vor.u32 v0, v6  }
0x3a: {  	v0 =	vld.idx.msk [tilespmem:v8+s10+$0x0], $0xffff;
	v6 =	vor.u32 s21, v16;
	v8 =	vor.u32 s21, v18;
	v16 =	vor.u32 s21, v22  }
0x3b: {  	v18 =	vand.u32 $0x80, v10;
	v10 =	vand.u32 $0x8000, v10;
	v22 =	vand.u32 $0x80, v1;
	v1 =	vld.idx.msk [tilespmem:v15+s10+$0x0], $0xffff  }
0x3c: {  	v15 =	vand.u32 $0x8000, v2;
	v2 =	vld.idx.msk [tilespmem:v17+s10+$0x0], $0xffff;
	v17 =	vand.u32 $0x80, v4;
	vm8 =	veq.s32 v23, $0x0  }
0x3d: {  	v4 =	vld.idx.msk [tilespmem:v21+s10+$0x0], $0xffff;
	vm0 =	veq.s32 v18, $0x0;
	vm4 =	veq.s32 v10, $0x0;
	vm9 =	veq.s32 v15, $0x0  }
0x3e: {  	v5 =	vld.idx.msk [tilespmem:v12+s10+$0x0], $0xffff;
	vm1 =	veq.s32 v22, $0x0;
	vm6 =	veq.s32 v17, $0x0;
	v19 =	vsel vm9, v36, v35  }
0x3f: {  	v21 =	vand.u32 $0xFFFF0000, v7;
	v32 =	vshll.u32 v7, $0x10;
	v7 =	vld.idx.msk [tilespmem:v14+s10+$0x0], $0xffff;
	v33 =	vand.u32 $0xFFFF0000, v0  }
0x40: {  	v34 =	vshll.u32 v0, $0x10;
	v39 =	vand.u32 $0xFFFF0000, v1;
	v9 =	vld.idx.msk [tilespmem:v6+s10+$0x0], $0xffff;
	v40 =	vshll.u32 v1, $0x10  }
0x41: {  	v41 =	vand.u32 $0xFFFF0000, v2;
	v42 =	vshll.u32 v2, $0x10;
	v11 =	vld.idx.msk [tilespmem:v8+s10+$0x0], $0xffff;
	v0 =	vand.u32 $0xFFFF0000, v3  }
0x42: {  	v1 =	vshll.u32 v3, $0x10;
	v13 =	vld.idx.msk [tilespmem:v16+s10+$0x0], $0xffff;
	v2 =	vshrl.u32 v4, $0x10;
	v3 =	vand.u32 $0xFFFF, v4  }
0x43: {  	v16 =	vld.idx.msk [tilespmem:v20+s10+$0x0], $0xffff;
	v4 =	vshrl.u32 v5, $0x10;
	v6 =	vand.u32 $0xFFFF, v5;
	v18 =	vsel vm4, v32, v21  }
0x44: {  	vm4 =	veq.s32 v29, $0x0;
	v21 =	vsel vm10, v38, v37;
	v20 =	vsel vm8, v34, v33  }
0x45: {  	v17 =	vsel vm11, v40, v39;
	v5 =	vshrl.u32 v7, $0x10;
	v7 =	vand.u32 $0xFFFF, v7  }
0x46: {  	v8 =	vshrl.u32 v9, $0x10;
	v9 =	vand.u32 $0xFFFF, v9;
	v10 =	vshrl.u32 v11, $0x10  }
0x47: {  	s20 =	simm.s32 $0x10040;
	v12 =	vand.u32 $0xFFFF, v11;
	v11 =	vshrl.u32 v13, $0x10;
	v13 =	vand.u32 $0xFFFF, v13  }
0x48: {  	s22 =	simm.s32 $0xC0;
	s23 =	simm.s32 $0x0;
	s21 =	simm.s32 $0x0;
	[tilespmem:s20+$0x30] =	vst v24;
	v14 =	vshrl.u32 v16, $0x10;
	v15 =	vand.u32 $0xFFFF, v16;
	v16 =	vsel vm12, v42, v41  }
.LBB2_2:
0x49: {  	v22 =	vld [tilespmem:s22+$0x30];
	s21 =	sadd.s32 $0x8, s21;
	v2 =	vsel vm0, v3, v2;
	v3 =	vsel vm1, v6, v4;
	v0 =	vsel vm7, v1, v0  }
0x4a: {  	v4 =	vsel vm2, v7, v5;
	v5 =	vsel vm3, v9, v8;
	v6 =	vsel vm6, v12, v10;
	v1 =	vld [tilespmem:s22+$0xFFFFFFD0];
	p0 =	slt.u32 s21, $0x3F8  }
0x4b: {  	v8 =	vsel vm4, v13, v11;
	v9 =	vsel vm5, v15, v14;
	v2 =	vor.u32 v2, v18;
	v7 =	vld [tilespmem:s22+$0xFFFFFFE0]  }
0x4c: {  	v10 =	vld [tilespmem:s22+$0xFFFFFFF0];
	[tilespmem:s20+$0xFFFFFFC0] =	vst v2;
	v2 =	vor.u32 v3, v20;
	v3 =	vor.u32 v4, v19;
	v4 =	vor.u32 v5, v21  }
0x4d: {  	s23 =	sadd.s32 $0x1, s23;
	v0 =	vor.u32 v9, v0;
	v5 =	vld [tilespmem:s22+$0x0];
	[tilespmem:s20+$0xFFFFFFD0] =	vst v2;
	v2 =	vor.u32 v6, v17;
	v6 =	vor.u32 v8, v16  }
0x4e: {  	s24 =	sshll.u32 s23, $0x7;
	v8 =	vld [tilespmem:s22+$0x10];
	v9 =	vshrl.u32 v22, $0x8;
	v11 =	vand.u32 $0x7F, v22;
	[tilespmem:s20+$0xFFFFFFE0] =	vst v3  }
0x4f: {  	v3 =	vshrl.u32 v1, $0x8;
	v12 =	vld [tilespmem:s22+$0x20];
	v11 =	vor.u32 s24, v11;
	v9 =	vand.u32 $0x7F, v9;
	[tilespmem:s20+$0xFFFFFFF0] =	vst v4  }
0x50: {  	v4 =	vld [tilespmem:s22+$0xFFFFFFC0];
	v3 =	vand.u32 $0x7F, v3;
	v13 =	vshrl.u32 v7, $0x8;
	v9 =	vor.u32 s24, v9;
	[tilespmem:s20+$0x0] =	vst v2  }
0x51: {  	v2 =	vand.u32 $0x7F, v1;
	v13 =	vand.u32 $0x7F, v13;
	v14 =	vshrl.u32 v10, $0x8;
	[tilespmem:s20+$0x10] =	vst v6  }
0x52: {  	v6 =	vand.u32 $0x7F, v7;
	v14 =	vand.u32 $0x7F, v14;
	v15 =	vshrl.u32 v5, $0x8;
	[tilespmem:s20+$0x20] =	vst v0  }
0x53: {  	v0 =	vand.u32 $0x7F, v10;
	v15 =	vand.u32 $0x7F, v15;
	v16 =	vshrl.u32 v8, $0x8  }
0x54: {  	v17 =	vand.u32 $0x7F, v5;
	v16 =	vand.u32 $0x7F, v16;
	v18 =	vshrl.u32 v12, $0x8;
	v11 =	vld.idx.msk [tilespmem:v11+s10+$0x0], $0xffff  }
0x55: {  	v19 =	vshrl.u32 v4, $0x8;
	v20 =	vand.u32 $0x7F, v4;
	v18 =	vand.u32 $0x7F, v18;
	v9 =	vld.idx.msk [tilespmem:v9+s10+$0x0], $0xffff  }
0x56: {  	v21 =	vand.u32 $0x7F, v8;
	v23 =	vand.u32 $0x7F, v12;
	v19 =	vand.u32 $0x7F, v19  }
0x57: {  	v3 =	vor.u32 s24, v3;
	v13 =	vor.u32 s24, v13;
	v19 =	vor.u32 s24, v19  }
0x58: {  	v14 =	vor.u32 s24, v14;
	v15 =	vor.u32 s24, v15;
	v16 =	vor.u32 s24, v16  }
0x59: {  	v24 =	vand.u32 $0x80, v22;
	v22 =	vand.u32 $0x8000, v22;
	v18 =	vor.u32 s24, v18  }
0x5a: {  	vm0 =	veq.s32 v24, $0x0;
	vm1 =	veq.s32 v22, $0x0;
	v24 =	vshrl.u32 v11, $0x10  }
0x5b: {  	v11 =	vand.u32 $0xFFFF, v11;
	v22 =	vand.u32 $0xFFFF0000, v9;
	v9 =	vshll.u32 v9, $0x10  }
0x5c: {  	v20 =	vor.u32 s24, v20;
	v11 =	vsel vm0, v11, v24;
	v9 =	vsel vm1, v9, v22;
	v19 =	vld.idx.msk [tilespmem:v19+s10+$0x0], $0xffff  }
0x5d: {  	v2 =	vor.u32 s24, v2;
	v6 =	vor.u32 s24, v6;
	s20 =	sadd.s32 $0x80, s20;
	v9 =	vor.u32 v11, v9;
	v3 =	vld.idx.msk [tilespmem:v3+s10+$0x0], $0xffff  }
0x5e: {  	v0 =	vor.u32 s24, v0;
	v11 =	vld.idx.msk [tilespmem:v13+s10+$0x0], $0xffff;
	v13 =	vor.u32 s24, v17;
	v17 =	vor.u32 s24, v21;
	[tilespmem:s20+$0x30] =	vst v9  }
0x5f: {  	v9 =	vand.u32 $0x80, v4;
	v4 =	vand.u32 $0x8000, v4;
	v21 =	vor.u32 s24, v23;
	v14 =	vld.idx.msk [tilespmem:v14+s10+$0x0], $0xffff  }
0x60: {  	v24 =	vand.u32 $0x80, v7;
	v22 =	vand.u32 $0x80, v1;
	v23 =	vand.u32 $0x8000, v1;
	v1 =	vld.idx.msk [tilespmem:v15+s10+$0x0], $0xffff  }
0x61: {  	v25 =	vand.u32 $0x80, v10;
	v26 =	vand.u32 $0x8000, v10;
	v15 =	vand.u32 $0x8000, v7;
	v7 =	vld.idx.msk [tilespmem:v16+s10+$0x0], $0xffff  }
0x62: {  	v27 =	vand.u32 $0x8000, v5;
	v28 =	vand.u32 $0x80, v8;
	v16 =	vand.u32 $0x80, v5;
	v5 =	vld.idx.msk [tilespmem:v18+s10+$0x0], $0xffff  }
0x63: {  	v29 =	vand.u32 $0x8000, v12;
	v18 =	vand.u32 $0x8000, v8;
	v10 =	vld.idx.msk [tilespmem:v20+s10+$0x0], $0xffff;
	v20 =	vand.u32 $0x80, v12  }
0x64: {  	v30 =	vand.u32 $0xFFFF0000, v19;
	v19 =	vshll.u32 v19, $0x10;
	v31 =	vand.u32 $0xFFFF0000, v3;
	v8 =	vld.idx.msk [tilespmem:v2+s10+$0x0], $0xffff  }
0x65: {  	v32 =	vshll.u32 v3, $0x10;
	v33 =	vand.u32 $0xFFFF0000, v11;
	v34 =	vshll.u32 v11, $0x10;
	v12 =	vld.idx.msk [tilespmem:v6+s10+$0x0], $0xffff  }
0x66: {  	v35 =	vand.u32 $0xFFFF0000, v14;
	v36 =	vshll.u32 v14, $0x10;
	v37 =	vand.u32 $0xFFFF0000, v1;
	v11 =	vld.idx.msk [tilespmem:v0+s10+$0x0], $0xffff  }
0x67: {  	v38 =	vshll.u32 v1, $0x10;
	v39 =	vand.u32 $0xFFFF0000, v7;
	v40 =	vshll.u32 v7, $0x10;
	v13 =	vld.idx.msk [tilespmem:v13+s10+$0x0], $0xffff  }
0x68: {  	vm0 =	veq.s32 v9, $0x0;
	v0 =	vand.u32 $0xFFFF0000, v5;
	v1 =	vshll.u32 v5, $0x10;
	v14 =	vld.idx.msk [tilespmem:v17+s10+$0x0], $0xffff  }
0x69: {  	vm8 =	veq.s32 v4, $0x0;
	v2 =	vshrl.u32 v10, $0x10;
	v3 =	vand.u32 $0xFFFF, v10;
	v17 =	vld.idx.msk [tilespmem:v21+s10+$0x0], $0xffff  }
0x6a: {  	vm1 =	veq.s32 v22, $0x0;
	v4 =	vshrl.u32 v8, $0x10;
	v6 =	vand.u32 $0xFFFF, v8  }
0x6b: {  	vm9 =	veq.s32 v23, $0x0;
	v5 =	vshrl.u32 v12, $0x10;
	v7 =	vand.u32 $0xFFFF, v12  }
0x6c: {  	vm2 =	veq.s32 v24, $0x0;
	v8 =	vshrl.u32 v11, $0x10;
	v9 =	vand.u32 $0xFFFF, v11  }
0x6d: {  	vm10 =	veq.s32 v15, $0x0;
	v10 =	vshrl.u32 v13, $0x10;
	v12 =	vand.u32 $0xFFFF, v13  }
0x6e: {  	vm3 =	veq.s32 v25, $0x0;
	v11 =	vshrl.u32 v14, $0x10;
	v13 =	vand.u32 $0xFFFF, v14  }
.Ltmp0:
0x6f: {  	vm11 =	veq.s32 v26, $0x0;
	v14 =	vshrl.u32 v17, $0x10;
	v15 =	vand.u32 $0xFFFF, v17;
	(pc) =	sbr.rel @p0 .LBB2_2-.Ltmp0, $4  }
0x70: {  	vm12 =	veq.s32 v27, $0x0;
	vm4 =	veq.s32 v28, $0x0;
	vm6 =	veq.s32 v16, $0x0  }
0x71: {  	vm7 =	veq.s32 v29, $0x0;
	vm13 =	veq.s32 v18, $0x0;
	vm5 =	veq.s32 v20, $0x0  }
0x72: {  	v18 =	vsel vm8, v19, v30;
	v20 =	vsel vm9, v32, v31;
	v19 =	vsel vm10, v34, v33  }
0x73: {  	s22 =	sadd.s32 $0x80, s22;
	v16 =	vsel vm13, v40, v39;
	v21 =	vsel vm11, v36, v35;
	v17 =	vsel vm12, v38, v37  }
0x74: {  	v2 =	vsel vm0, v3, v2  }
0x75: {  	v3 =	vsel vm1, v6, v4;
	v4 =	vsel vm2, v7, v5;
	v2 =	vor.u32 v2, v18  }
0x76: {  	v0 =	vsel vm7, v1, v0;
	v1 =	vsel vm5, v15, v14;
	v4 =	vor.u32 v4, v19;
	[tilespmem:s20+$0xFFFFFFC0] =	vst v2  }
0x77: {  	v0 =	vor.u32 v1, v0;
	[tilespmem:s20+$0xFFFFFFE0] =	vst v4  }
0x78: {  	v2 =	vor.u32 v3, v20;
	v3 =	vsel vm3, v9, v8;
	[tilespmem:s20+$0x20] =	vst v0  }
0x79: {  	[tilespmem:s20+$0xFFFFFFD0] =	vst v2;
	v2 =	vsel vm6, v12, v10;
	v3 =	vor.u32 v3, v21  }
0x7a: {  	v4 =	vsel vm4, v13, v11;
	v2 =	vor.u32 v2, v17;
	[tilespmem:s20+$0xFFFFFFF0] =	vst v3  }
0x7b: {  	v3 =	vor.u32 v4, v16;
	[tilespmem:s20+$0x0] =	vst v2  }
0x7c: {  	s21 =	simm.s32 $0x0;
	[tilespmem:s20+$0x10] =	vst v3  }
0x7d: {  	[hbm4b:s7+s21] =	stream.linear.scatter [tilespmem:s14], [sflag:$0x3], $0x4000, $0x38;
	[tilespmem:$0x18000] =	vst v63  }
0x7e: {  	_ =	swait.ge [sflag:s15], $0x4000  }
0x7f: {  	[sflag:s15] =	ssyncset.done $0x0  }
0x80: {  	[sflag:s15] =	ssyncadd.s32 $0xFFFFC000  }
0x81: {  	_ =	swait.ge [sflag:s15], $0x4000  }
0x82: {  	[sflag:s15] =	ssyncset.done $0x0  }
0x83: {  	s20 =	simm.s32 $0x0;
	[sflag:s15] =	ssyncadd.s32 $0xFFFFC000  }
0x84: {  	v0 =	vld [tilespmem:s20+$0x4070]  }
0x85: {  	v1 =	vld [tilespmem:s20+$0x4000]  }
0x86: {  	v2 =	vld [tilespmem:s20+$0x4010]  }
0x87: {  	v3 =	vld [tilespmem:s20+$0x4020]  }
0x88: {  	v4 =	vld [tilespmem:s20+$0x4030]  }
0x89: {  	v5 =	vld [tilespmem:s20+$0x4040]  }
0x8a: {  	v9 =	vld [tilespmem:s20+$0x4050]  }
0x8b: {  	v11 =	vld [tilespmem:s20+$0x4060]  }
0x8c: {  	v6 =	vshrl.u32 v0, $0x8;
	v7 =	vand.u32 $0x7F, v0  }
0x8d: {  	v8 =	vshrl.u32 v1, $0x8;
	v10 =	vshrl.u32 v2, $0x8;
	v12 =	vand.u32 $0x7F, v1  }
0x8e: {  	v13 =	vshrl.u32 v3, $0x8;
	v14 =	vand.u32 $0x7F, v2;
	v15 =	vshrl.u32 v4, $0x8  }
0x8f: {  	v16 =	vand.u32 $0x7F, v3;
	v17 =	vshrl.u32 v5, $0x8;
	v18 =	vand.u32 $0x7F, v4  }
0x90: {  	v19 =	vshrl.u32 v9, $0x8;
	v20 =	vand.u32 $0x7F, v5;
	v21 =	vshrl.u32 v11, $0x8  }
0x91: {  	v22 =	vand.u32 $0x7F, v9;
	v23 =	vand.u32 $0x7F, v11;
	v24 =	vand.u32 $0x80, v0  }
0x92: {  	v0 =	vand.u32 $0x8000, v0;
	v25 =	vand.u32 $0x8000, v2;
	v26 =	vand.u32 $0x80, v3  }
0x93: {  	s22 =	simm.s32 $0x0;
	v27 =	vand.u32 $0x80, v4;
	v28 =	vand.u32 $0x8000, v4;
	v29 =	vand.u32 $0x80, v5  }
0x94: {  	v30 =	vand.u32 $0x8000, v5;
	v7 =	vor.u32 s22, v7;
	v6 =	vand.u32 $0x7F, v6  }
0x95: {  	v31 =	vand.u32 $0x80, v9;
	v32 =	vand.u32 $0x8000, v9;
	v6 =	vor.u32 s22, v6  }
0x96: {  	v33 =	vand.u32 $0x80, v11;
	v34 =	vand.u32 $0x8000, v11;
	v8 =	vand.u32 $0x7F, v8  }
0x97: {  	v10 =	vand.u32 $0x7F, v10;
	v13 =	vand.u32 $0x7F, v13;
	v15 =	vand.u32 $0x7F, v15  }
0x98: {  	v17 =	vand.u32 $0x7F, v17;
	v19 =	vand.u32 $0x7F, v19;
	v13 =	vor.u32 s22, v13  }
0x99: {  	v21 =	vand.u32 $0x7F, v21;
	vm0 =	veq.s32 v24, $0x0;
	v15 =	vor.u32 s22, v15;
	v7 =	vld.idx.msk [tilespmem:v7+s12+$0x0], $0xffff  }
0x9a: {  	vm1 =	veq.s32 v0, $0x0;
	v12 =	vor.u32 s22, v12;
	v19 =	vor.u32 s22, v19;
	v6 =	vld.idx.msk [tilespmem:v6+s12+$0x0], $0xffff  }
0x9b: {  	vm12 =	veq.s32 v25, $0x0;
	vm2 =	veq.s32 v26, $0x0;
	v8 =	vor.u32 s22, v8  }
0x9c: {  	vm3 =	veq.s32 v27, $0x0;
	vm8 =	veq.s32 v28, $0x0;
	vm6 =	veq.s32 v29, $0x0  }
0x9d: {  	vm9 =	veq.s32 v30, $0x0;
	vm4 =	veq.s32 v31, $0x0;
	v21 =	vor.u32 s22, v21;
	v13 =	vld.idx.msk [tilespmem:v13+s12+$0x0], $0xffff  }
0x9e: {  	v10 =	vor.u32 s22, v10;
	v17 =	vor.u32 s22, v17;
	v15 =	vld.idx.msk [tilespmem:v15+s12+$0x0], $0xffff;
	v24 =	vshrl.u32 v7, $0x10  }
0x9f: {  	v19 =	vld.idx.msk [tilespmem:v19+s12+$0x0], $0xffff;
	v0 =	vand.u32 $0xFFFF, v7;
	v7 =	vand.u32 $0xFFFF0000, v6;
	v6 =	vshll.u32 v6, $0x10  }
0xa0: {  	vm10 =	veq.s32 v32, $0x0;
	v6 =	vsel vm1, v6, v7;
	v7 =	vld.idx.msk [tilespmem:v8+s12+$0x0], $0xffff;
	v8 =	vor.u32 s22, v14  }
0xa1: {  	vm5 =	veq.s32 v33, $0x0;
	vm7 =	veq.s32 v34, $0x0;
	v9 =	vld.idx.msk [tilespmem:v12+s12+$0x0], $0xffff;
	v14 =	vor.u32 s22, v16  }
0xa2: {  	v5 =	vld.idx.msk [tilespmem:v21+s12+$0x0], $0xffff;
	v0 =	vsel vm0, v0, v24;
	v39 =	vand.u32 $0xFFFF0000, v13;
	v16 =	vor.u32 s22, v22  }
0xa3: {  	v40 =	vshll.u32 v13, $0x10;
	v22 =	vor.u32 s22, v23;
	v23 =	vand.u32 $0x80, v2;
	v2 =	vld.idx.msk [tilespmem:v17+s12+$0x0], $0xffff  }
0xa4: {  	v4 =	vshll.u32 v15, $0x10;
	v24 =	vor.u32 v0, v6;
	v0 =	vld.idx.msk [tilespmem:v10+s12+$0x0], $0xffff;
	v6 =	vor.u32 s22, v18  }
0xa5: {  	v17 =	vand.u32 $0x8000, v3;
	v3 =	vand.u32 $0xFFFF0000, v19;
	v10 =	vor.u32 s22, v20;
	v11 =	vld.idx.msk [tilespmem:v8+s12+$0x0], $0xffff  }
0xa6: {  	v18 =	vand.u32 $0x80, v1;
	v20 =	vand.u32 $0x8000, v1;
	v1 =	vand.u32 $0xFFFF0000, v15;
	v13 =	vld.idx.msk [tilespmem:v14+s12+$0x0], $0xffff  }
0xa7: {  	vm1 =	veq.s32 v23, $0x0;
	vm13 =	veq.s32 v17, $0x0;
	vm0 =	veq.s32 v18, $0x0;
	v18 =	vld.idx.msk [tilespmem:v16+s12+$0x0], $0xffff  }
0xa8: {  	vm11 =	veq.s32 v20, $0x0;
	v35 =	vand.u32 $0xFFFF0000, v7;
	v36 =	vshll.u32 v7, $0x10;
	v21 =	vld.idx.msk [tilespmem:v22+s12+$0x0], $0xffff  }
0xa9: {  	v7 =	vshll.u32 v2, $0x10;
	v8 =	vshrl.u32 v9, $0x10;
	v9 =	vand.u32 $0xFFFF, v9;
	v15 =	vld.idx.msk [tilespmem:v6+s12+$0x0], $0xffff  }
0xaa: {  	v22 =	vsel vm13, v40, v39;
	v37 =	vand.u32 $0xFFFF0000, v0;
	v6 =	vshll.u32 v19, $0x10;
	v19 =	vld.idx.msk [tilespmem:v10+s12+$0x0], $0xffff  }
0xab: {  	v38 =	vshll.u32 v0, $0x10;
	v0 =	vand.u32 $0xFFFF0000, v2;
	v2 =	vand.u32 $0xFFFF0000, v5  }
0xac: {  	[tilespmem:s20+$0x14070] =	vst v24;
	v5 =	vshll.u32 v5, $0x10;
	v24 =	vsel vm11, v36, v35;
	v23 =	vsel vm12, v38, v37  }
0xad: {  	v10 =	vshrl.u32 v11, $0x10;
	v12 =	vand.u32 $0xFFFF, v11;
	v11 =	vshrl.u32 v13, $0x10  }
0xae: {  	v13 =	vand.u32 $0xFFFF, v13;
	v14 =	vshrl.u32 v15, $0x10;
	v16 =	vand.u32 $0xFFFF, v15  }
0xaf: {  	v17 =	vshrl.u32 v19, $0x10;
	v20 =	vand.u32 $0xFFFF, v19;
	v15 =	vshrl.u32 v18, $0x10  }
0xb0: {  	s23 =	simm.s32 $0x200;
	s22 =	simm.s32 $0x0;
	v18 =	vand.u32 $0xFFFF, v18;
	v19 =	vshrl.u32 v21, $0x10;
	v21 =	vand.u32 $0xFFFF, v21  }
.LBB2_4:
0xb1: {  	s25 =	sshra.s32 s23, $0x2;
	s22 =	sadd.s32 $0x8, s22;
	v1 =	vsel vm8, v4, v1;
	v0 =	vsel vm9, v7, v0;
	v3 =	vsel vm10, v6, v3  }
0xb2: {  	v6 =	vsel vm0, v9, v8;
	v7 =	vsel vm1, v12, v10;
	v2 =	vsel vm7, v5, v2;
	v4 =	vld [tilespmem:s25+$0x4070];
	p0 =	slt.u32 s22, $0x3F8  }
0xb3: {  	v8 =	vsel vm2, v13, v11;
	v9 =	vsel vm3, v16, v14;
	v10 =	vsel vm6, v20, v17;
	v5 =	vld [tilespmem:s25+$0x4000]  }
0xb4: {  	v12 =	vsel vm4, v18, v15;
	v13 =	vsel vm5, v21, v19;
	v6 =	vor.u32 v6, v24;
	v11 =	vld [tilespmem:s25+$0x4010]  }
0xb5: {  	v1 =	vor.u32 v9, v1;
	v14 =	vld [tilespmem:s25+$0x4020];
	[tilespmem:s20+$0x14000] =	vst v6;
	v6 =	vor.u32 v7, v23;
	v7 =	vor.u32 v8, v22  }
0xb6: {  	s21 =	sadd.s32 $0x1, s21;
	v0 =	vor.u32 v10, v0;
	v3 =	vor.u32 v12, v3;
	v2 =	vor.u32 v13, v2;
	v8 =	vld [tilespmem:s25+$0x4030];
	[tilespmem:s20+$0x14010] =	vst v6  }
0xb7: {  	s24 =	sshll.u32 s21, $0x7;
	v6 =	vld [tilespmem:s25+$0x4040];
	v9 =	vshrl.u32 v4, $0x8;
	v10 =	vand.u32 $0x7F, v4;
	[tilespmem:s20+$0x14020] =	vst v7  }
0xb8: {  	v7 =	vshrl.u32 v5, $0x8;
	v12 =	vld [tilespmem:s25+$0x4050];
	v10 =	vor.u32 s24, v10;
	v9 =	vand.u32 $0x7F, v9;
	[tilespmem:s20+$0x14030] =	vst v1  }
0xb9: {  	v1 =	vand.u32 $0x7F, v7;
	v7 =	vshrl.u32 v11, $0x8;
	v13 =	vld [tilespmem:s25+$0x4060];
	v9 =	vor.u32 s24, v9;
	[tilespmem:s20+$0x14040] =	vst v0  }
0xba: {  	v0 =	vand.u32 $0x7F, v5;
	v7 =	vand.u32 $0x7F, v7;
	v15 =	vshrl.u32 v14, $0x8;
	[tilespmem:s20+$0x14050] =	vst v3  }
0xbb: {  	v3 =	vand.u32 $0x7F, v11;
	v15 =	vand.u32 $0x7F, v15;
	v16 =	vshrl.u32 v8, $0x8;
	[tilespmem:s20+$0x14060] =	vst v2;
	s20 =	smov.u32 s25  }
0xbc: {  	v2 =	vand.u32 $0x7F, v14;
	v16 =	vand.u32 $0x7F, v16;
	v17 =	vshrl.u32 v6, $0x8  }
0xbd: {  	v18 =	vand.u32 $0x7F, v8;
	v17 =	vand.u32 $0x7F, v17;
	v19 =	vshrl.u32 v12, $0x8;
	v10 =	vld.idx.msk [tilespmem:v10+s12+$0x0], $0xffff  }
0xbe: {  	v20 =	vand.u32 $0x7F, v6;
	v19 =	vand.u32 $0x7F, v19;
	v21 =	vshrl.u32 v13, $0x8;
	v9 =	vld.idx.msk [tilespmem:v9+s12+$0x0], $0xffff  }
0xbf: {  	v22 =	vand.u32 $0x7F, v12;
	v23 =	vand.u32 $0x7F, v13;
	v21 =	vand.u32 $0x7F, v21  }
0xc0: {  	v1 =	vor.u32 s24, v1;
	v7 =	vor.u32 s24, v7;
	v15 =	vor.u32 s24, v15  }
0xc1: {  	v16 =	vor.u32 s24, v16;
	v17 =	vor.u32 s24, v17;
	v19 =	vor.u32 s24, v19  }
0xc2: {  	v24 =	vand.u32 $0x80, v4;
	v4 =	vand.u32 $0x8000, v4;
	v21 =	vor.u32 s24, v21  }
0xc3: {  	vm0 =	veq.s32 v24, $0x0;
	vm1 =	veq.s32 v4, $0x0;
	v24 =	vshrl.u32 v10, $0x10  }
0xc4: {  	v4 =	vand.u32 $0xFFFF, v10;
	v10 =	vand.u32 $0xFFFF0000, v9;
	v9 =	vshll.u32 v9, $0x10  }
0xc5: {  	v0 =	vor.u32 s24, v0;
	v4 =	vsel vm0, v4, v24;
	v9 =	vsel vm1, v9, v10;
	v1 =	vld.idx.msk [tilespmem:v1+s12+$0x0], $0xffff  }
0xc6: {  	v3 =	vor.u32 s24, v3;
	v2 =	vor.u32 s24, v2;
	v4 =	vor.u32 v4, v9;
	v7 =	vld.idx.msk [tilespmem:v7+s12+$0x0], $0xffff  }
0xc7: {  	v10 =	vor.u32 s24, v18;
	v18 =	vor.u32 s24, v22;
	v9 =	vld.idx.msk [tilespmem:v15+s12+$0x0], $0xffff;
	v15 =	vor.u32 s24, v20;
	[tilespmem:s20+$0x14070] =	vst v4  }
0xc8: {  	v22 =	vand.u32 $0x8000, v5;
	v20 =	vand.u32 $0x80, v5;
	v4 =	vld.idx.msk [tilespmem:v16+s12+$0x0], $0xffff;
	v16 =	vor.u32 s24, v23  }
0xc9: {  	v24 =	vand.u32 $0x80, v14;
	v23 =	vand.u32 $0x80, v11;
	v11 =	vand.u32 $0x8000, v11;
	v5 =	vld.idx.msk [tilespmem:v17+s12+$0x0], $0xffff  }
0xca: {  	v25 =	vand.u32 $0x80, v8;
	v26 =	vand.u32 $0x8000, v8;
	v17 =	vand.u32 $0x8000, v14;
	v8 =	vld.idx.msk [tilespmem:v19+s12+$0x0], $0xffff  }
0xcb: {  	v27 =	vand.u32 $0x80, v6;
	v28 =	vand.u32 $0x8000, v6;
	v29 =	vand.u32 $0x80, v12;
	v14 =	vld.idx.msk [tilespmem:v21+s12+$0x0], $0xffff  }
0xcc: {  	v30 =	vand.u32 $0x8000, v12;
	v31 =	vand.u32 $0x80, v13;
	v32 =	vand.u32 $0x8000, v13;
	v19 =	vld.idx.msk [tilespmem:v0+s12+$0x0], $0xffff  }
0xcd: {  	v33 =	vand.u32 $0xFFFF0000, v1;
	v34 =	vshll.u32 v1, $0x10;
	v35 =	vand.u32 $0xFFFF0000, v7;
	v12 =	vld.idx.msk [tilespmem:v3+s12+$0x0], $0xffff  }
0xce: {  	v36 =	vshll.u32 v7, $0x10;
	v37 =	vand.u32 $0xFFFF0000, v9;
	v38 =	vshll.u32 v9, $0x10;
	v13 =	vld.idx.msk [tilespmem:v2+s12+$0x0], $0xffff  }
0xcf: {  	v1 =	vand.u32 $0xFFFF0000, v4;
	v4 =	vshll.u32 v4, $0x10;
	v0 =	vand.u32 $0xFFFF0000, v5;
	v21 =	vld.idx.msk [tilespmem:v10+s12+$0x0], $0xffff  }
0xd0: {  	v7 =	vshll.u32 v5, $0x10;
	v3 =	vand.u32 $0xFFFF0000, v8;
	v6 =	vshll.u32 v8, $0x10;
	v15 =	vld.idx.msk [tilespmem:v15+s12+$0x0], $0xffff  }
0xd1: {  	vm0 =	veq.s32 v20, $0x0;
	v2 =	vand.u32 $0xFFFF0000, v14;
	v5 =	vshll.u32 v14, $0x10;
	v18 =	vld.idx.msk [tilespmem:v18+s12+$0x0], $0xffff  }
0xd2: {  	vm11 =	veq.s32 v22, $0x0;
	v8 =	vshrl.u32 v19, $0x10;
	v9 =	vand.u32 $0xFFFF, v19;
	v22 =	vld.idx.msk [tilespmem:v16+s12+$0x0], $0xffff  }
0xd3: {  	vm1 =	veq.s32 v23, $0x0;
	v10 =	vshrl.u32 v12, $0x10;
	v12 =	vand.u32 $0xFFFF, v12  }
0xd4: {  	vm12 =	veq.s32 v11, $0x0;
	v11 =	vshrl.u32 v13, $0x10;
	v13 =	vand.u32 $0xFFFF, v13  }
0xd5: {  	vm2 =	veq.s32 v24, $0x0;
	v14 =	vshrl.u32 v21, $0x10;
	v16 =	vand.u32 $0xFFFF, v21  }
0xd6: {  	vm13 =	veq.s32 v17, $0x0;
	v17 =	vshrl.u32 v15, $0x10;
	v20 =	vand.u32 $0xFFFF, v15  }
.Ltmp1:
0xd7: {  	vm3 =	veq.s32 v25, $0x0;
	v15 =	vshrl.u32 v18, $0x10;
	v18 =	vand.u32 $0xFFFF, v18;
	(pc) =	sbr.rel @p0 .LBB2_4-.Ltmp1, $4  }
0xd8: {  	vm8 =	veq.s32 v26, $0x0;
	v19 =	vshrl.u32 v22, $0x10;
	v21 =	vand.u32 $0xFFFF, v22  }
0xd9: {  	vm6 =	veq.s32 v27, $0x0;
	vm9 =	veq.s32 v28, $0x0;
	vm4 =	veq.s32 v29, $0x0  }
0xda: {  	vm10 =	veq.s32 v30, $0x0;
	vm5 =	veq.s32 v31, $0x0;
	vm7 =	veq.s32 v32, $0x0  }
0xdb: {  	s23 =	sadd.s32 $0x200, s23;
	v24 =	vsel vm11, v34, v33;
	v23 =	vsel vm12, v36, v35;
	v22 =	vsel vm13, v38, v37  }
0xdc: {  	v8 =	vsel vm0, v9, v8  }
0xdd: {  	v54 =	vsel vm1, v12, v10;
	v8 =	vor.u32 v8, v24  }
0xde: {  	v55 =	vsel vm2, v13, v11;
	v56 =	vor.u32 v54, v23;
	[tilespmem:s20+$0x14000] =	vst v8  }
0xdf: {  	v1 =	vsel vm8, v4, v1;
	v57 =	vsel vm3, v16, v14;
	v58 =	vor.u32 v55, v22;
	[tilespmem:s20+$0x14010] =	vst v56  }
0xe0: {  	v0 =	vsel vm9, v7, v0;
	v59 =	vsel vm6, v20, v17;
	v1 =	vor.u32 v57, v1;
	[tilespmem:s20+$0x14020] =	vst v58  }
0xe1: {  	v3 =	vsel vm10, v6, v3;
	v60 =	vsel vm4, v18, v15;
	v0 =	vor.u32 v59, v0;
	[tilespmem:s20+$0x14030] =	vst v1  }
0xe2: {  	v61 =	vsel vm7, v5, v2;
	v62 =	vsel vm5, v21, v19;
	v3 =	vor.u32 v60, v3;
	[tilespmem:s20+$0x14040] =	vst v0  }
0xe3: {  	v63 =	vor.u32 v62, v61;
	[tilespmem:s20+$0x14050] =	vst v3  }
0xe4: {  	s19 =	sadd.s32 $0x1, s19;
	[tilespmem:s20+$0x14060] =	vst v63  }
0xe5: {  	[hbm4b:s8+s1] =	stream.linear.scatter [tilespmem:s16], [sflag:$0x4], $0x4000, $0x38;
	[tilespmem:$0x18000] =	vst v63  }
0xe6: {  	p0 =	sne.s32 s19, s9;
	_ =	swait.ge [sflag:s17], $0x4000  }
.Ltmp2:
0xe7: {  	[sflag:s17] =	ssyncset.done $0x0;
	(pc) =	sbr.rel @p0 .LBB2_1-.Ltmp2, $4  }
0xe8: {  	[sflag:s17] =	ssyncadd.s32 $0xFFFFC000  }
0xe9: {  	_ =	swait.ge [sflag:s18], $0x4000  }
0xea: {  	[sflag:s18] =	ssyncset.done $0x0  }
0xeb: {  	[sflag:s18] =	ssyncadd.s32 $0xFFFFC000  }
0xec: {  	_ =	sfence.sel $0x180000  }
0xed: {  	[bflag:$0x0] =	sbarrier.arrive $0xFFFF  }
0xee: {  	p0 =	sne.s32 s2, $0x0;
	_ =	strace $0x90000047  }
0xef: {  	s0 =	sadd.s32 @!p0 $0x100000, s0;
	[bflag:$0x2] =	sbarrier.arrive $0xFFFF  }
0xf0: {  	[sflag:s0] =	ssyncadd.tile.s32 @!p0 $0x1;
	_ =	shalt  }
.Lfunc_end2:
_tile_overlayer_lowered:
.L_overlay_start_2:
0xf1: {  	(tag) =	ssettag $0x2  }
0xf2: {  	s0 =	rddreg [dreg:$0x0];
	s2 =	stileid.u32  }
0xf3: {  	s1 =	rddreg [dreg:$0x1];
	p0 =	sne.s32 s2, $0x0  }
0xf4: {  	s3 =	rddreg [dreg:$0x2];
	[bflag:$0x3] =	sbarrier.arrive $0xFFFF;
	s2 =	simm.s32 @!p0 $0x1C05  }
0xf5: {  	[timem:s3], [sflag:s2] =	dma.local @!p0 [hbm:s0], s1  }
0xf6: {  	s0 =	simm.s32 @!p0 $0x5  }
0xf7: {  	_ =	swait.ge @!p0 [sflag:s0], s1  }
0xf8: {  	s1 =	ssub.s32 @!p0 $0x0, s1;
	[sflag:s0] =	ssyncset.done @!p0 $0x0  }
0xf9: {  	[sflag:s0] =	ssyncadd.s32 @!p0 s1  }
0xfa: {  	[bflag:$0x3] =	sbarrier.arrive $0xFFFF  }
0xfb: {  	_ =	shalt  }

</sc_bundles>
